<compile_context>
chip_gen: v7x
topology: tpu7x:2x2x1
jax: 0.10.2.dev20260603
libtpu: 0.0.44.dev20260713+nightly
codegen_flags: <defaults>
</compile_context>

<pallas_src>
import functools

import jax
import jax.numpy as jnp
from jax import lax
from jax.experimental import pallas as pl
from jax.experimental.pallas import tpu as pltpu
from jax.experimental.pallas import tpu_sc as plsc

N_NODES = 10000
D_FEAT = 128
LN_EPS = 1e-5

NC = 2
NS = 16
CH = 40
RING = 5
PF = 4
LAG = RING - PF
ZROWS = 16
NPAD = 10240
AGG_DT = jnp.float32


def _sc_aggregate(x, edge_index):
    e = edge_index.shape[1]
    epw = e // (NC * NS)
    nch = epw // CH
    ngrp = nch // RING
    assert nch == ngrp * RING and epw == nch * CH
    rows_per_sub = NPAD // NS

    src1 = edge_index[0]
    dst1 = edge_index[1]
    mesh = plsc.VectorSubcoreMesh(core_axis_name="c", subcore_axis_name="s")

    scratch = (
        [pltpu.VMEM_SHARED((NPAD, D_FEAT), AGG_DT)]
        + [pltpu.VMEM((epw,), jnp.int32)]
        + [pltpu.VMEM((epw,), jnp.int32)]
        + [pltpu.VMEM((CH, D_FEAT), AGG_DT)] * RING
        + [pltpu.VMEM((ZROWS, D_FEAT), AGG_DT)]
        + [pltpu.SemaphoreType.DMA] * (2 * RING + 1)
    )

    @functools.partial(
        pl.kernel,
        out_type=jax.ShapeDtypeStruct((NC * NS, NPAD // NS, D_FEAT), AGG_DT),
        mesh=mesh,
        scratch_types=scratch,
    )
    def k(x_hbm, src_hbm, dst_hbm, out_hbm, *scr):
        aggr_sh, src_blk, dst_blk = scr[0], scr[1], scr[2]
        rowbufs = scr[3:3 + RING]
        zbuf = scr[3 + RING]
        gsems = scr[4 + RING:4 + 2 * RING]
        ssems = scr[4 + 2 * RING:4 + 3 * RING]
        zsem = scr[4 + 3 * RING]

        c_ax = lax.axis_index("c")
        s_ax = lax.axis_index("s")
        w = c_ax * NS + s_ax

        def issue_gather(gg, rr, slot):
            idx = src_blk.at[pl.ds((gg * RING + rr) * CH, CH)]
            pltpu.async_copy(x_hbm.at[idx], rowbufs[slot], gsems[slot])

        def wait_gather(gg, rr, slot):
            idx = src_blk.at[pl.ds((gg * RING + rr) * CH, CH)]
            pltpu.make_async_copy(x_hbm.at[idx], rowbufs[slot],
                                  gsems[slot]).wait()

        def issue_scatter(gg, rr, r):
            idx = dst_blk.at[pl.ds((gg * RING + rr) * CH, CH)]
            pltpu.async_copy(rowbufs[r], aggr_sh.at[idx], ssems[r], add=True)

        def wait_scatter(gg, rr, r):
            idx = dst_blk.at[pl.ds((gg * RING + rr) * CH, CH)]
            pltpu.make_async_copy(rowbufs[r], aggr_sh.at[idx],
                                  ssems[r]).wait()

        pltpu.sync_copy(src_hbm.at[pl.ds(w * epw, epw)], src_blk)
        pltpu.sync_copy(dst_hbm.at[pl.ds(w * epw, epw)], dst_blk)

        for c0 in range(PF):
            issue_gather(0, c0, c0)

        zwidth = 32 if AGG_DT == jnp.bfloat16 else 16

        @pl.loop(0, ZROWS)
        def _(i):
            @pl.loop(0, D_FEAT, step=zwidth)
            def _(j):
                zbuf[i, pl.ds(j, zwidth)] = jnp.zeros((zwidth,), AGG_DT)

        def zslice(i):
            return aggr_sh.at[pl.ds(s_ax * rows_per_sub + i * ZROWS, ZROWS)]

        @pl.loop(0, rows_per_sub // ZROWS)
        def _(i):
            pltpu.async_copy(zbuf, zslice(i), zsem)

        @pl.loop(0, rows_per_sub // ZROWS)
        def _(i):
            pltpu.make_async_copy(zbuf, zslice(i), zsem).wait()

        plsc.subcore_barrier()

        def step(g, r, do_wait_s, do_issue_g):
            wait_gather(g, r, r)
            issue_scatter(g, r, r)
            if do_wait_s:
                if r >= LAG:
                    wait_scatter(g, r - LAG, r - LAG)
                else:
                    wait_scatter(g - 1, r - LAG + RING, r - LAG + RING)
            if do_issue_g:
                if r + PF < RING:
                    issue_gather(g, r + PF, r + PF)
                else:
                    issue_gather(g + 1, r + PF - RING, r + PF - RING)

        for r in range(RING):
            step(0, r, do_wait_s=(r >= LAG), do_issue_g=True)

        @pl.loop(0, ngrp - 2)
        def _(q):
            for r in range(RING):
                step(q + 1, r, True, True)

        gl = ngrp - 1
        for r in range(RING):
            step(gl, r, do_wait_s=True,
                 do_issue_g=(gl * RING + r + PF < nch))
        for c in range(nch - LAG, nch):
            wait_scatter(gl, c % RING, c % RING)

        plsc.subcore_barrier()

        for j in range(NS):
            @pl.when(s_ax == j)
            def _():
                pltpu.sync_copy(
                    aggr_sh.at[pl.ds(j * rows_per_sub, rows_per_sub)],
                    out_hbm.at[w])

    return k(x, src1, dst1).reshape(NC, NPAD, D_FEAT)


def _tc_update(x, partials, w, b, ln_w, ln_b):
    blk = 2000
    grid = (N_NODES // blk,)

    def body(x_ref, p_ref, w_ref, b_ref, lnw_ref, lnb_ref, o_ref):
        h = (x_ref[...] + p_ref[0].astype(jnp.float32)
             + p_ref[1].astype(jnp.float32))
        y = lax.dot_general(h, w_ref[...], (((1,), (1,)), ((), ())),
                            preferred_element_type=jnp.float32)
        y = y + b_ref[...]
        mean = jnp.mean(y, axis=-1, keepdims=True)
        var = jnp.mean((y - mean) ** 2, axis=-1, keepdims=True)
        o_ref[...] = ((y - mean) * lax.rsqrt(var + LN_EPS) * lnw_ref[...]
                      + lnb_ref[...])

    return pl.pallas_call(
        body,
        grid=grid,
        in_specs=[
            pl.BlockSpec((blk, D_FEAT), lambda i: (i, 0)),
            pl.BlockSpec((NC, blk, D_FEAT), lambda i: (0, i, 0)),
            pl.BlockSpec((D_FEAT, D_FEAT), lambda i: (0, 0)),
            pl.BlockSpec((1, D_FEAT), lambda i: (0, 0)),
            pl.BlockSpec((1, D_FEAT), lambda i: (0, 0)),
            pl.BlockSpec((1, D_FEAT), lambda i: (0, 0)),
        ],
        out_specs=pl.BlockSpec((blk, D_FEAT), lambda i: (i, 0)),
        out_shape=jax.ShapeDtypeStruct((N_NODES, D_FEAT), jnp.float32),
    )(x, partials, w, b, ln_w, ln_b)


def kernel(x, edge_index, batch, W, b, ln_w, ln_b):
    partials = _sc_aggregate(x, edge_index)
    return _tc_update(x, partials, W, b.reshape(1, D_FEAT),
                      ln_w.reshape(1, D_FEAT), ln_b.reshape(1, D_FEAT))

# --- scband reference (transcript-rebuilt; emitter-appended) ---
"""Pipeline reference for scband-ginlayer-86225763434891 (READ-ONLY COPY).

The authoritative reference and input builder live on the scoring server;
editing this copy changes nothing except your own understanding.
"""

import jax, jax.numpy as jnp
import numpy as np

N_NODES = 10000
N_EDGES = 320000
D_FEAT = 128
EPS_GIN = 0.0
LN_EPS = 1e-5


def setup_inputs(seed: int = 0) -> dict:
    key = jax.random.key(seed)
    k_x, k_e, k_b, k_w, k_bias = jax.random.split(key, 5)
    x = jax.random.normal(k_x, (N_NODES, D_FEAT), dtype=jnp.float32)
    edge_index = jax.random.randint(k_e, (2, N_EDGES), 0, N_NODES, dtype=jnp.int64 if jax.config.jax_enable_x64 else jnp.int32).astype(jnp.int32)
    batch = jnp.sort(jax.random.randint(k_b, (N_NODES,), 0, 16, dtype=jnp.int32))
    # update network: num_hidden=0 -> single Linear(features_dim, features_dim)
    W = jax.random.normal(k_w, (D_FEAT, D_FEAT), dtype=jnp.float32) * (1.0 / np.sqrt(D_FEAT))
    b = jax.random.normal(k_bias, (D_FEAT,), dtype=jnp.float32) * 0.01
    # LayerNorm (node mode) affine params
    ln_w = jnp.ones((D_FEAT,), dtype=jnp.float32)
    ln_b = jnp.zeros((D_FEAT,), dtype=jnp.float32)
    return {"x": x, "edge_index": edge_index, "batch": batch, "W": W, "b": b, "ln_w": ln_w, "ln_b": ln_b}


def reference(x, edge_index, batch, W, b, ln_w, ln_b):
    # GIN aggregation: out[dst] = sum over incoming edges of x[src]
    src = edge_index[0]
    dst = edge_index[1]
    msgs = jnp.take(x, src, axis=0)                      # gather [E, d]
    aggr = jnp.zeros_like(x).at[dst].add(msgs)           # scatter-add
    h = (1.0 + EPS_GIN) * x + aggr
    # update network: single linear layer
    h = h @ W.T + b
    # LayerNorm, node mode (per-node over feature dim); batch unused in node mode
    mean = jnp.mean(h, axis=-1, keepdims=True)
    var = jnp.mean((h - mean) ** 2, axis=-1, keepdims=True)
    out = (h - mean) / jnp.sqrt(var + LN_EPS) * ln_w + ln_b
    return out

if __name__ == "__main__":
    import jax
    _d = setup_inputs()
    print(jax.jit(kernel)(*tuple(_d.values())))

</pallas_src>

<mosaic_0001>
#map = affine_map<(d0, d1) -> (0, 0)>
#map1 = affine_map<(d0, d1) -> (0)>
#map2 = affine_map<(d0, d1) -> (0, 0, 0)>
module attributes {stable_mosaic.version = 14 : i64} {
  func.func @k(%arg0: i32, %arg1: i32, %arg2: memref<10000x128xf32, #tpu.memory_space<hbm>>, %arg3: memref<320000xi32, #tpu.memory_space<hbm>>, %arg4: memref<320000xi32, #tpu.memory_space<hbm>>, %arg5: memref<32x640x128xf32, #tpu.memory_space<hbm>>, %arg6: memref<10240x128xf32, #tpu.memory_space<vmem_shared>>, %arg7: memref<10000xi32, #tpu.memory_space<vmem>>, %arg8: memref<10000xi32, #tpu.memory_space<vmem>>, %arg9: memref<40x128xf32, #tpu.memory_space<vmem>>, %arg10: memref<40x128xf32, #tpu.memory_space<vmem>>, %arg11: memref<40x128xf32, #tpu.memory_space<vmem>>, %arg12: memref<40x128xf32, #tpu.memory_space<vmem>>, %arg13: memref<40x128xf32, #tpu.memory_space<vmem>>, %arg14: memref<16x128xf32, #tpu.memory_space<vmem>>, %arg15: memref<!tpu.dma_semaphore, #tpu.memory_space<semaphore_mem>>, %arg16: memref<!tpu.dma_semaphore, #tpu.memory_space<semaphore_mem>>, %arg17: memref<!tpu.dma_semaphore, #tpu.memory_space<semaphore_mem>>, %arg18: memref<!tpu.dma_semaphore, #tpu.memory_space<semaphore_mem>>, %arg19: memref<!tpu.dma_semaphore, #tpu.memory_space<semaphore_mem>>, %arg20: memref<!tpu.dma_semaphore, #tpu.memory_space<semaphore_mem>>, %arg21: memref<!tpu.dma_semaphore, #tpu.memory_space<semaphore_mem>>, %arg22: memref<!tpu.dma_semaphore, #tpu.memory_space<semaphore_mem>>, %arg23: memref<!tpu.dma_semaphore, #tpu.memory_space<semaphore_mem>>, %arg24: memref<!tpu.dma_semaphore, #tpu.memory_space<semaphore_mem>>, %arg25: memref<!tpu.dma_semaphore, #tpu.memory_space<semaphore_mem>>) attributes {dimension_semantics = [#tpu.dimension_semantics<core_parallel>, #tpu.dimension_semantics<subcore_parallel>], iteration_bounds = array<i64: 2, 16>, scalar_prefetch = 0 : i64, scratch_operands = 20 : i64, tpu.core_type = #tpu.core_type<sc_vector_subcore>, window_params = [{transform_indices = #map}, {transform_indices = #map1}, {transform_indices = #map1}, {transform_indices = #map2}]} {
    %mul3A = arith.constant 16 : i32
    %mul3A_0 = arith.muli %arg0, %mul3A : i32
    %add3A = arith.addi %mul3A_0, %arg1 : i32
    %mul3A_1 = arith.constant 10000 : i32
    %mul3A_2 = arith.muli %add3A, %mul3A_1 : i32
    "tpu.region"() ({
      %run_scoped3A = tpu.sem_alloc : memref<!tpu.dma_semaphore, #tpu.memory_space<semaphore_mem>>
      %dma_start3A_300 = tpu.memref_slice %arg3[%mul3A_2] : memref<320000xi32, #tpu.memory_space<hbm>> -> memref<10000xi32, #tpu.memory_space<hbm>>
      %dma_start3A_301 = tpu.memref_slice %arg3[%mul3A_2] : memref<320000xi32, #tpu.memory_space<hbm>> -> memref<10000xi32, #tpu.memory_space<hbm>>
      tpu.enqueue_dma source(%dma_start3A_301 : memref<10000xi32, #tpu.memory_space<hbm>>) target(%arg7 : memref<10000xi32, #tpu.memory_space<vmem>>) target_semaphore(%run_scoped3A : memref<!tpu.dma_semaphore, #tpu.memory_space<semaphore_mem>>)
      %dma_wait3A_302 = tpu.memref_slice %arg3[%mul3A_2] : memref<320000xi32, #tpu.memory_space<hbm>> -> memref<10000xi32, #tpu.memory_space<hbm>>
      %dma_wait3A_303 = tpu.memref_slice %arg3[%mul3A_2] : memref<320000xi32, #tpu.memory_space<hbm>> -> memref<10000xi32, #tpu.memory_space<hbm>>
      tpu.wait_dma2 semaphore(%run_scoped3A : memref<!tpu.dma_semaphore, #tpu.memory_space<semaphore_mem>>) src(%dma_wait3A_303 : memref<10000xi32, #tpu.memory_space<hbm>>) dst(%arg7 : memref<10000xi32, #tpu.memory_space<vmem>>)
      tpu.yield
    }) : () -> ()
    %mul3A_3 = arith.constant 10000 : i32
    %mul3A_4 = arith.muli %add3A, %mul3A_3 : i32
    "tpu.region"() ({
      %run_scoped3A = tpu.sem_alloc : memref<!tpu.dma_semaphore, #tpu.memory_space<semaphore_mem>>
      %dma_start3A_300 = tpu.memref_slice %arg4[%mul3A_4] : memref<320000xi32, #tpu.memory_space<hbm>> -> memref<10000xi32, #tpu.memory_space<hbm>>
      %dma_start3A_301 = tpu.memref_slice %arg4[%mul3A_4] : memref<320000xi32, #tpu.memory_space<hbm>> -> memref<10000xi32, #tpu.memory_space<hbm>>
      tpu.enqueue_dma source(%dma_start3A_301 : memref<10000xi32, #tpu.memory_space<hbm>>) target(%arg8 : memref<10000xi32, #tpu.memory_space<vmem>>) target_semaphore(%run_scoped3A : memref<!tpu.dma_semaphore, #tpu.memory_space<semaphore_mem>>)
      %dma_wait3A_302 = tpu.memref_slice %arg4[%mul3A_4] : memref<320000xi32, #tpu.memory_space<hbm>> -> memref<10000xi32, #tpu.memory_space<hbm>>
      %dma_wait3A_303 = tpu.memref_slice %arg4[%mul3A_4] : memref<320000xi32, #tpu.memory_space<hbm>> -> memref<10000xi32, #tpu.memory_space<hbm>>
      tpu.wait_dma2 semaphore(%run_scoped3A : memref<!tpu.dma_semaphore, #tpu.memory_space<semaphore_mem>>) src(%dma_wait3A_303 : memref<10000xi32, #tpu.memory_space<hbm>>) dst(%arg8 : memref<10000xi32, #tpu.memory_space<vmem>>)
      tpu.yield
    }) : () -> ()
    %dma_start3A = arith.constant 0 : i32
    %dma_start3A_5 = tpu.memref_slice %arg7[%dma_start3A] : memref<10000xi32, #tpu.memory_space<vmem>> -> memref<40xi32, #tpu.memory_space<vmem>>
    %dma_start3A_6 = arith.constant 0 : i32
    %dma_start3A_7 = arith.constant 0 : i32
    %dma_start3A_8 = tpu.memref_slice %arg2[%dma_start3A_6, %dma_start3A_7] : memref<10000x128xf32, #tpu.memory_space<hbm>> -> memref<10000x128xf32, #tpu.memory_space<hbm>>
    tpu.enqueue_indirect_dma source(%dma_start3A_8 : memref<10000x128xf32, #tpu.memory_space<hbm>>) target(%arg9 : memref<40x128xf32, #tpu.memory_space<vmem>>) offsets(%dma_start3A_5 : memref<40xi32, #tpu.memory_space<vmem>>) semaphore(%arg15 : memref<!tpu.dma_semaphore, #tpu.memory_space<semaphore_mem>>)
    %dma_start3A_9 = arith.constant 40 : i32
    %dma_start3A_10 = tpu.memref_slice %arg7[%dma_start3A_9] : memref<10000xi32, #tpu.memory_space<vmem>> -> memref<40xi32, #tpu.memory_space<vmem>>
    %dma_start3A_11 = arith.constant 0 : i32
    %dma_start3A_12 = arith.constant 0 : i32
    %dma_start3A_13 = tpu.memref_slice %arg2[%dma_start3A_11, %dma_start3A_12] : memref<10000x128xf32, #tpu.memory_space<hbm>> -> memref<10000x128xf32, #tpu.memory_space<hbm>>
    tpu.enqueue_indirect_dma source(%dma_start3A_13 : memref<10000x128xf32, #tpu.memory_space<hbm>>) target(%arg10 : memref<40x128xf32, #tpu.memory_space<vmem>>) offsets(%dma_start3A_10 : memref<40xi32, #tpu.memory_space<vmem>>) semaphore(%arg16 : memref<!tpu.dma_semaphore, #tpu.memory_space<semaphore_mem>>)
    %dma_start3A_14 = arith.constant 80 : i32
    %dma_start3A_15 = tpu.memref_slice %arg7[%dma_start3A_14] : memref<10000xi32, #tpu.memory_space<vmem>> -> memref<40xi32, #tpu.memory_space<vmem>>
    %dma_start3A_16 = arith.constant 0 : i32
    %dma_start3A_17 = arith.constant 0 : i32
    %dma_start3A_18 = tpu.memref_slice %arg2[%dma_start3A_16, %dma_start3A_17] : memref<10000x128xf32, #tpu.memory_space<hbm>> -> memref<10000x128xf32, #tpu.memory_space<hbm>>
    tpu.enqueue_indirect_dma source(%dma_start3A_18 : memref<10000x128xf32, #tpu.memory_space<hbm>>) target(%arg11 : memref<40x128xf32, #tpu.memory_space<vmem>>) offsets(%dma_start3A_15 : memref<40xi32, #tpu.memory_space<vmem>>) semaphore(%arg17 : memref<!tpu.dma_semaphore, #tpu.memory_space<semaphore_mem>>)
    %dma_start3A_19 = arith.constant 120 : i32
    %dma_start3A_20 = tpu.memref_slice %arg7[%dma_start3A_19] : memref<10000xi32, #tpu.memory_space<vmem>> -> memref<40xi32, #tpu.memory_space<vmem>>
    %dma_start3A_21 = arith.constant 0 : i32
    %dma_start3A_22 = arith.constant 0 : i32
    %dma_start3A_23 = tpu.memref_slice %arg2[%dma_start3A_21, %dma_start3A_22] : memref<10000x128xf32, #tpu.memory_space<hbm>> -> memref<10000x128xf32, #tpu.memory_space<hbm>>
    tpu.enqueue_indirect_dma source(%dma_start3A_23 : memref<10000x128xf32, #tpu.memory_space<hbm>>) target(%arg12 : memref<40x128xf32, #tpu.memory_space<vmem>>) offsets(%dma_start3A_20 : memref<40xi32, #tpu.memory_space<vmem>>) semaphore(%arg18 : memref<!tpu.dma_semaphore, #tpu.memory_space<semaphore_mem>>)
    %scan3A = arith.constant 0 : i32
    %scan3A_24 = arith.constant 16 : i32
    %scan3A_25 = arith.addi %scan3A, %scan3A_24 : i32
    %scan3A_26 = arith.constant 1 : i32
    scf.for %scan3A_300 = %scan3A to %scan3A_25 step %scan3A_26  : i32 {
      %mul3A_301 = arith.constant 1 : i32
      %mul3A_302 = arith.muli %scan3A_300, %mul3A_301 : i32
      %add3A_303 = arith.constant 0 : i32
      %add3A_304 = arith.addi %add3A_303, %mul3A_302 : i32
      %scan3A_305 = arith.constant 0 : i32
      %scan3A_306 = arith.constant 8 : i32
      %scan3A_307 = arith.addi %scan3A_305, %scan3A_306 : i32
      %scan3A_308 = arith.constant 1 : i32
      scf.for %scan3A_310 = %scan3A_305 to %scan3A_307 step %scan3A_308  : i32 {
        %mul3A_311 = arith.constant 16 : i32
        %mul3A_312 = arith.muli %scan3A_310, %mul3A_311 : i32
        %add3A_313 = arith.constant 0 : i32
        %add3A_314 = arith.addi %add3A_313, %mul3A_312 : i32
        %broadcast_in_dim3A = arith.constant 0.000000e+00 : f32
        %broadcast_in_dim3A_315 = vector.broadcast %broadcast_in_dim3A : f32 to vector<16xf32>
        %swap3A = arith.index_cast %add3A_304 : i32 to index
        %swap3A_316 = arith.index_cast %add3A_314 : i32 to index
        %swap3A_317 = tpu.vector_load %arg14[%swap3A, %swap3A_316] {strides = array<i32>} : memref<16x128xf32, #tpu.memory_space<vmem>>, vector<1x16xf32>,
        %swap3A_318 = vector.shape_cast %swap3A_317 : vector<1x16xf32> to vector<16xf32>
        %swap3A_319 = vector.shape_cast %broadcast_in_dim3A_315 : vector<16xf32> to vector<1x16xf32>
        tpu.vector_store %arg14[%swap3A, %swap3A_316], %swap3A_319 {strides = array<i32>} : memref<16x128xf32, #tpu.memory_space<vmem>>, vector<1x16xf32>,
      }
      %scan3A_309 = arith.constant 8 : i32
    }
    %scan3A_27 = arith.constant 16 : i32
    %scan3A_28 = arith.constant 0 : i32
    %scan3A_29 = arith.constant 40 : i32
    %scan3A_30 = arith.addi %scan3A_28, %scan3A_29 : i32
    %scan3A_31 = arith.constant 1 : i32
    scf.for %scan3A_300 = %scan3A_28 to %scan3A_30 step %scan3A_31  : i32 {
      %mul3A_301 = arith.constant 1 : i32
      %mul3A_302 = arith.muli %scan3A_300, %mul3A_301 : i32
      %add3A_303 = arith.constant 0 : i32
      %add3A_304 = arith.addi %add3A_303, %mul3A_302 : i32
      %mul3A_305 = arith.constant 640 : i32
      %mul3A_306 = arith.muli %arg1, %mul3A_305 : i32
      %mul3A_307 = arith.constant 16 : i32
      %mul3A_308 = arith.muli %add3A_304, %mul3A_307 : i32
      %add3A_309 = arith.addi %mul3A_306, %mul3A_308 : i32
      %dma_start3A_310 = arith.constant 0 : i32
      %dma_start3A_311 = tpu.memref_slice %arg6[%add3A_309, %dma_start3A_310] : memref<10240x128xf32, #tpu.memory_space<vmem_shared>> -> memref<16x128xf32, #tpu.memory_space<vmem_shared>>
      %dma_start3A_312 = arith.constant 0 : i32
      %dma_start3A_313 = tpu.memref_slice %arg6[%add3A_309, %dma_start3A_312] : memref<10240x128xf32, #tpu.memory_space<vmem_shared>> -> memref<16x128xf32, #tpu.memory_space<vmem_shared>>
      tpu.enqueue_dma source(%arg14 : memref<16x128xf32, #tpu.memory_space<vmem>>) target(%dma_start3A_313 : memref<16x128xf32, #tpu.memory_space<vmem_shared>>) target_semaphore(%arg25 : memref<!tpu.dma_semaphore, #tpu.memory_space<semaphore_mem>>)
    }
    %scan3A_32 = arith.constant 40 : i32
    %scan3A_33 = arith.constant 0 : i32
    %scan3A_34 = arith.constant 40 : i32
    %scan3A_35 = arith.addi %scan3A_33, %scan3A_34 : i32
    %scan3A_36 = arith.constant 1 : i32
    scf.for %scan3A_300 = %scan3A_33 to %scan3A_35 step %scan3A_36  : i32 {
      %mul3A_301 = arith.constant 1 : i32
      %mul3A_302 = arith.muli %scan3A_300, %mul3A_301 : i32
      %add3A_303 = arith.constant 0 : i32
      %add3A_304 = arith.addi %add3A_303, %mul3A_302 : i32
      %mul3A_305 = arith.constant 640 : i32
      %mul3A_306 = arith.muli %arg1, %mul3A_305 : i32
      %mul3A_307 = arith.constant 16 : i32
      %mul3A_308 = arith.muli %add3A_304, %mul3A_307 : i32
      %add3A_309 = arith.addi %mul3A_306, %mul3A_308 : i32
      %dma_wait3A_310 = arith.constant 0 : i32
      %dma_wait3A_311 = tpu.memref_slice %arg6[%add3A_309, %dma_wait3A_310] : memref<10240x128xf32, #tpu.memory_space<vmem_shared>> -> memref<16x128xf32, #tpu.memory_space<vmem_shared>>
      %dma_wait3A_312 = arith.constant 0 : i32
      %dma_wait3A_313 = tpu.memref_slice %arg6[%add3A_309, %dma_wait3A_312] : memref<10240x128xf32, #tpu.memory_space<vmem_shared>> -> memref<16x128xf32, #tpu.memory_space<vmem_shared>>
      tpu.wait_dma2 semaphore(%arg25 : memref<!tpu.dma_semaphore, #tpu.memory_space<semaphore_mem>>) src(%arg14 : memref<16x128xf32, #tpu.memory_space<vmem>>) dst(%dma_wait3A_313 : memref<16x128xf32, #tpu.memory_space<vmem_shared>>)
    }
    %scan3A_37 = arith.constant 40 : i32
    %barrier3A = arith.constant 0 : index
    tpu.barrier barrier_id(%barrier3A)
    %dma_wait3A = arith.constant 0 : i32
    %dma_wait3A_38 = tpu.memref_slice %arg7[%dma_wait3A] : memref<10000xi32, #tpu.memory_space<vmem>> -> memref<40xi32, #tpu.memory_space<vmem>>
    %dma_wait3A_39 = arith.constant 0 : i32
    %dma_wait3A_40 = arith.constant 0 : i32
    %dma_wait3A_41 = tpu.memref_slice %arg2[%dma_wait3A_39, %dma_wait3A_40] : memref<10000x128xf32, #tpu.memory_space<hbm>> -> memref<10000x128xf32, #tpu.memory_space<hbm>>
    tpu.wait_indirect_dma semaphore(%arg15 : memref<!tpu.dma_semaphore, #tpu.memory_space<semaphore_mem>>) src(%dma_wait3A_41 : memref<10000x128xf32, #tpu.memory_space<hbm>>) dst(%arg9 : memref<40x128xf32, #tpu.memory_space<vmem>>)
    %dma_start3A_42 = arith.constant 0 : i32
    %dma_start3A_43 = tpu.memref_slice %arg8[%dma_start3A_42] : memref<10000xi32, #tpu.memory_space<vmem>> -> memref<40xi32, #tpu.memory_space<vmem>>
    %dma_start3A_44 = arith.constant 0 : i32
    %dma_start3A_45 = arith.constant 0 : i32
    %dma_start3A_46 = tpu.memref_slice %arg6[%dma_start3A_44, %dma_start3A_45] : memref<10240x128xf32, #tpu.memory_space<vmem_shared>> -> memref<10240x128xf32, #tpu.memory_space<vmem_shared>>
    tpu.enqueue_indirect_dma source(%arg9 : memref<40x128xf32, #tpu.memory_space<vmem>>) target(%dma_start3A_46 : memref<10240x128xf32, #tpu.memory_space<vmem_shared>>) offsets(%dma_start3A_43 : memref<40xi32, #tpu.memory_space<vmem>>) semaphore(%arg20 : memref<!tpu.dma_semaphore, #tpu.memory_space<semaphore_mem>>) {add = true}
    %dma_start3A_47 = arith.constant 160 : i32
    %dma_start3A_48 = tpu.memref_slice %arg7[%dma_start3A_47] : memref<10000xi32, #tpu.memory_space<vmem>> -> memref<40xi32, #tpu.memory_space<vmem>>
    %dma_start3A_49 = arith.constant 0 : i32
    %dma_start3A_50 = arith.constant 0 : i32
    %dma_start3A_51 = tpu.memref_slice %arg2[%dma_start3A_49, %dma_start3A_50] : memref<10000x128xf32, #tpu.memory_space<hbm>> -> memref<10000x128xf32, #tpu.memory_space<hbm>>
    tpu.enqueue_indirect_dma source(%dma_start3A_51 : memref<10000x128xf32, #tpu.memory_space<hbm>>) target(%arg13 : memref<40x128xf32, #tpu.memory_space<vmem>>) offsets(%dma_start3A_48 : memref<40xi32, #tpu.memory_space<vmem>>) semaphore(%arg19 : memref<!tpu.dma_semaphore, #tpu.memory_space<semaphore_mem>>)
    %dma_wait3A_52 = arith.constant 40 : i32
    %dma_wait3A_53 = tpu.memref_slice %arg7[%dma_wait3A_52] : memref<10000xi32, #tpu.memory_space<vmem>> -> memref<40xi32, #tpu.memory_space<vmem>>
    %dma_wait3A_54 = arith.constant 0 : i32
    %dma_wait3A_55 = arith.constant 0 : i32
    %dma_wait3A_56 = tpu.memref_slice %arg2[%dma_wait3A_54, %dma_wait3A_55] : memref<10000x128xf32, #tpu.memory_space<hbm>> -> memref<10000x128xf32, #tpu.memory_space<hbm>>
    tpu.wait_indirect_dma semaphore(%arg16 : memref<!tpu.dma_semaphore, #tpu.memory_space<semaphore_mem>>) src(%dma_wait3A_56 : memref<10000x128xf32, #tpu.memory_space<hbm>>) dst(%arg10 : memref<40x128xf32, #tpu.memory_space<vmem>>)
    %dma_start3A_57 = arith.constant 40 : i32
    %dma_start3A_58 = tpu.memref_slice %arg8[%dma_start3A_57] : memref<10000xi32, #tpu.memory_space<vmem>> -> memref<40xi32, #tpu.memory_space<vmem>>
    %dma_start3A_59 = arith.constant 0 : i32
    %dma_start3A_60 = arith.constant 0 : i32
    %dma_start3A_61 = tpu.memref_slice %arg6[%dma_start3A_59, %dma_start3A_60] : memref<10240x128xf32, #tpu.memory_space<vmem_shared>> -> memref<10240x128xf32, #tpu.memory_space<vmem_shared>>
    tpu.enqueue_indirect_dma source(%arg10 : memref<40x128xf32, #tpu.memory_space<vmem>>) target(%dma_start3A_61 : memref<10240x128xf32, #tpu.memory_space<vmem_shared>>) offsets(%dma_start3A_58 : memref<40xi32, #tpu.memory_space<vmem>>) semaphore(%arg21 : memref<!tpu.dma_semaphore, #tpu.memory_space<semaphore_mem>>) {add = true}
    %dma_wait3A_62 = arith.constant 0 : i32
    %dma_wait3A_63 = tpu.memref_slice %arg8[%dma_wait3A_62] : memref<10000xi32, #tpu.memory_space<vmem>> -> memref<40xi32, #tpu.memory_space<vmem>>
    %dma_wait3A_64 = arith.constant 0 : i32
    %dma_wait3A_65 = arith.constant 0 : i32
    %dma_wait3A_66 = tpu.memref_slice %arg6[%dma_wait3A_64, %dma_wait3A_65] : memref<10240x128xf32, #tpu.memory_space<vmem_shared>> -> memref<10240x128xf32, #tpu.memory_space<vmem_shared>>
    tpu.wait_indirect_dma semaphore(%arg20 : memref<!tpu.dma_semaphore, #tpu.memory_space<semaphore_mem>>) src(%arg9 : memref<40x128xf32, #tpu.memory_space<vmem>>) dst(%dma_wait3A_66 : memref<10240x128xf32, #tpu.memory_space<vmem_shared>>)
    %dma_start3A_67 = arith.constant 200 : i32
    %dma_start3A_68 = tpu.memref_slice %arg7[%dma_start3A_67] : memref<10000xi32, #tpu.memory_space<vmem>> -> memref<40xi32, #tpu.memory_space<vmem>>
    %dma_start3A_69 = arith.constant 0 : i32
    %dma_start3A_70 = arith.constant 0 : i32
    %dma_start3A_71 = tpu.memref_slice %arg2[%dma_start3A_69, %dma_start3A_70] : memref<10000x128xf32, #tpu.memory_space<hbm>> -> memref<10000x128xf32, #tpu.memory_space<hbm>>
    tpu.enqueue_indirect_dma source(%dma_start3A_71 : memref<10000x128xf32, #tpu.memory_space<hbm>>) target(%arg9 : memref<40x128xf32, #tpu.memory_space<vmem>>) offsets(%dma_start3A_68 : memref<40xi32, #tpu.memory_space<vmem>>) semaphore(%arg15 : memref<!tpu.dma_semaphore, #tpu.memory_space<semaphore_mem>>)
    %dma_wait3A_72 = arith.constant 80 : i32
    %dma_wait3A_73 = tpu.memref_slice %arg7[%dma_wait3A_72] : memref<10000xi32, #tpu.memory_space<vmem>> -> memref<40xi32, #tpu.memory_space<vmem>>
    %dma_wait3A_74 = arith.constant 0 : i32
    %dma_wait3A_75 = arith.constant 0 : i32
    %dma_wait3A_76 = tpu.memref_slice %arg2[%dma_wait3A_74, %dma_wait3A_75] : memref<10000x128xf32, #tpu.memory_space<hbm>> -> memref<10000x128xf32, #tpu.memory_space<hbm>>
    tpu.wait_indirect_dma semaphore(%arg17 : memref<!tpu.dma_semaphore, #tpu.memory_space<semaphore_mem>>) src(%dma_wait3A_76 : memref<10000x128xf32, #tpu.memory_space<hbm>>) dst(%arg11 : memref<40x128xf32, #tpu.memory_space<vmem>>)
    %dma_start3A_77 = arith.constant 80 : i32
    %dma_start3A_78 = tpu.memref_slice %arg8[%dma_start3A_77] : memref<10000xi32, #tpu.memory_space<vmem>> -> memref<40xi32, #tpu.memory_space<vmem>>
    %dma_start3A_79 = arith.constant 0 : i32
    %dma_start3A_80 = arith.constant 0 : i32
    %dma_start3A_81 = tpu.memref_slice %arg6[%dma_start3A_79, %dma_start3A_80] : memref<10240x128xf32, #tpu.memory_space<vmem_shared>> -> memref<10240x128xf32, #tpu.memory_space<vmem_shared>>
    tpu.enqueue_indirect_dma source(%arg11 : memref<40x128xf32, #tpu.memory_space<vmem>>) target(%dma_start3A_81 : memref<10240x128xf32, #tpu.memory_space<vmem_shared>>) offsets(%dma_start3A_78 : memref<40xi32, #tpu.memory_space<vmem>>) semaphore(%arg22 : memref<!tpu.dma_semaphore, #tpu.memory_space<semaphore_mem>>) {add = true}
    %dma_wait3A_82 = arith.constant 40 : i32
    %dma_wait3A_83 = tpu.memref_slice %arg8[%dma_wait3A_82] : memref<10000xi32, #tpu.memory_space<vmem>> -> memref<40xi32, #tpu.memory_space<vmem>>
    %dma_wait3A_84 = arith.constant 0 : i32
    %dma_wait3A_85 = arith.constant 0 : i32
    %dma_wait3A_86 = tpu.memref_slice %arg6[%dma_wait3A_84, %dma_wait3A_85] : memref<10240x128xf32, #tpu.memory_space<vmem_shared>> -> memref<10240x128xf32, #tpu.memory_space<vmem_shared>>
    tpu.wait_indirect_dma semaphore(%arg21 : memref<!tpu.dma_semaphore, #tpu.memory_space<semaphore_mem>>) src(%arg10 : memref<40x128xf32, #tpu.memory_space<vmem>>) dst(%dma_wait3A_86 : memref<10240x128xf32, #tpu.memory_space<vmem_shared>>)
    %dma_start3A_87 = arith.constant 240 : i32
    %dma_start3A_88 = tpu.memref_slice %arg7[%dma_start3A_87] : memref<10000xi32, #tpu.memory_space<vmem>> -> memref<40xi32, #tpu.memory_space<vmem>>
    %dma_start3A_89 = arith.constant 0 : i32
    %dma_start3A_90 = arith.constant 0 : i32
    %dma_start3A_91 = tpu.memref_slice %arg2[%dma_start3A_89, %dma_start3A_90] : memref<10000x128xf32, #tpu.memory_space<hbm>> -> memref<10000x128xf32, #tpu.memory_space<hbm>>
    tpu.enqueue_indirect_dma source(%dma_start3A_91 : memref<10000x128xf32, #tpu.memory_space<hbm>>) target(%arg10 : memref<40x128xf32, #tpu.memory_space<vmem>>) offsets(%dma_start3A_88 : memref<40xi32, #tpu.memory_space<vmem>>) semaphore(%arg16 : memref<!tpu.dma_semaphore, #tpu.memory_space<semaphore_mem>>)
    %dma_wait3A_92 = arith.constant 120 : i32
    %dma_wait3A_93 = tpu.memref_slice %arg7[%dma_wait3A_92] : memref<10000xi32, #tpu.memory_space<vmem>> -> memref<40xi32, #tpu.memory_space<vmem>>
    %dma_wait3A_94 = arith.constant 0 : i32
    %dma_wait3A_95 = arith.constant 0 : i32
    %dma_wait3A_96 = tpu.memref_slice %arg2[%dma_wait3A_94, %dma_wait3A_95] : memref<10000x128xf32, #tpu.memory_space<hbm>> -> memref<10000x128xf32, #tpu.memory_space<hbm>>
    tpu.wait_indirect_dma semaphore(%arg18 : memref<!tpu.dma_semaphore, #tpu.memory_space<semaphore_mem>>) src(%dma_wait3A_96 : memref<10000x128xf32, #tpu.memory_space<hbm>>) dst(%arg12 : memref<40x128xf32, #tpu.memory_space<vmem>>)
    %dma_start3A_97 = arith.constant 120 : i32
    %dma_start3A_98 = tpu.memref_slice %arg8[%dma_start3A_97] : memref<10000xi32, #tpu.memory_space<vmem>> -> memref<40xi32, #tpu.memory_space<vmem>>
    %dma_start3A_99 = arith.constant 0 : i32
    %dma_start3A_100 = arith.constant 0 : i32
    %dma_start3A_101 = tpu.memref_slice %arg6[%dma_start3A_99, %dma_start3A_100] : memref<10240x128xf32, #tpu.memory_space<vmem_shared>> -> memref<10240x128xf32, #tpu.memory_space<vmem_shared>>
    tpu.enqueue_indirect_dma source(%arg12 : memref<40x128xf32, #tpu.memory_space<vmem>>) target(%dma_start3A_101 : memref<10240x128xf32, #tpu.memory_space<vmem_shared>>) offsets(%dma_start3A_98 : memref<40xi32, #tpu.memory_space<vmem>>) semaphore(%arg23 : memref<!tpu.dma_semaphore, #tpu.memory_space<semaphore_mem>>) {add = true}
    %dma_wait3A_102 = arith.constant 80 : i32
    %dma_wait3A_103 = tpu.memref_slice %arg8[%dma_wait3A_102] : memref<10000xi32, #tpu.memory_space<vmem>> -> memref<40xi32, #tpu.memory_space<vmem>>
    %dma_wait3A_104 = arith.constant 0 : i32
    %dma_wait3A_105 = arith.constant 0 : i32
    %dma_wait3A_106 = tpu.memref_slice %arg6[%dma_wait3A_104, %dma_wait3A_105] : memref<10240x128xf32, #tpu.memory_space<vmem_shared>> -> memref<10240x128xf32, #tpu.memory_space<vmem_shared>>
    tpu.wait_indirect_dma semaphore(%arg22 : memref<!tpu.dma_semaphore, #tpu.memory_space<semaphore_mem>>) src(%arg11 : memref<40x128xf32, #tpu.memory_space<vmem>>) dst(%dma_wait3A_106 : memref<10240x128xf32, #tpu.memory_space<vmem_shared>>)
    %dma_start3A_107 = arith.constant 280 : i32
    %dma_start3A_108 = tpu.memref_slice %arg7[%dma_start3A_107] : memref<10000xi32, #tpu.memory_space<vmem>> -> memref<40xi32, #tpu.memory_space<vmem>>
    %dma_start3A_109 = arith.constant 0 : i32
    %dma_start3A_110 = arith.constant 0 : i32
    %dma_start3A_111 = tpu.memref_slice %arg2[%dma_start3A_109, %dma_start3A_110] : memref<10000x128xf32, #tpu.memory_space<hbm>> -> memref<10000x128xf32, #tpu.memory_space<hbm>>
    tpu.enqueue_indirect_dma source(%dma_start3A_111 : memref<10000x128xf32, #tpu.memory_space<hbm>>) target(%arg11 : memref<40x128xf32, #tpu.memory_space<vmem>>) offsets(%dma_start3A_108 : memref<40xi32, #tpu.memory_space<vmem>>) semaphore(%arg17 : memref<!tpu.dma_semaphore, #tpu.memory_space<semaphore_mem>>)
    %dma_wait3A_112 = arith.constant 160 : i32
    %dma_wait3A_113 = tpu.memref_slice %arg7[%dma_wait3A_112] : memref<10000xi32, #tpu.memory_space<vmem>> -> memref<40xi32, #tpu.memory_space<vmem>>
    %dma_wait3A_114 = arith.constant 0 : i32
    %dma_wait3A_115 = arith.constant 0 : i32
    %dma_wait3A_116 = tpu.memref_slice %arg2[%dma_wait3A_114, %dma_wait3A_115] : memref<10000x128xf32, #tpu.memory_space<hbm>> -> memref<10000x128xf32, #tpu.memory_space<hbm>>
    tpu.wait_indirect_dma semaphore(%arg19 : memref<!tpu.dma_semaphore, #tpu.memory_space<semaphore_mem>>) src(%dma_wait3A_116 : memref<10000x128xf32, #tpu.memory_space<hbm>>) dst(%arg13 : memref<40x128xf32, #tpu.memory_space<vmem>>)
    %dma_start3A_117 = arith.constant 160 : i32
    %dma_start3A_118 = tpu.memref_slice %arg8[%dma_start3A_117] : memref<10000xi32, #tpu.memory_space<vmem>> -> memref<40xi32, #tpu.memory_space<vmem>>
    %dma_start3A_119 = arith.constant 0 : i32
    %dma_start3A_120 = arith.constant 0 : i32
    %dma_start3A_121 = tpu.memref_slice %arg6[%dma_start3A_119, %dma_start3A_120] : memref<10240x128xf32, #tpu.memory_space<vmem_shared>> -> memref<10240x128xf32, #tpu.memory_space<vmem_shared>>
    tpu.enqueue_indirect_dma source(%arg13 : memref<40x128xf32, #tpu.memory_space<vmem>>) target(%dma_start3A_121 : memref<10240x128xf32, #tpu.memory_space<vmem_shared>>) offsets(%dma_start3A_118 : memref<40xi32, #tpu.memory_space<vmem>>) semaphore(%arg24 : memref<!tpu.dma_semaphore, #tpu.memory_space<semaphore_mem>>) {add = true}
    %dma_wait3A_122 = arith.constant 120 : i32
    %dma_wait3A_123 = tpu.memref_slice %arg8[%dma_wait3A_122] : memref<10000xi32, #tpu.memory_space<vmem>> -> memref<40xi32, #tpu.memory_space<vmem>>
    %dma_wait3A_124 = arith.constant 0 : i32
    %dma_wait3A_125 = arith.constant 0 : i32
    %dma_wait3A_126 = tpu.memref_slice %arg6[%dma_wait3A_124, %dma_wait3A_125] : memref<10240x128xf32, #tpu.memory_space<vmem_shared>> -> memref<10240x128xf32, #tpu.memory_space<vmem_shared>>
    tpu.wait_indirect_dma semaphore(%arg23 : memref<!tpu.dma_semaphore, #tpu.memory_space<semaphore_mem>>) src(%arg12 : memref<40x128xf32, #tpu.memory_space<vmem>>) dst(%dma_wait3A_126 : memref<10240x128xf32, #tpu.memory_space<vmem_shared>>)
    %dma_start3A_127 = arith.constant 320 : i32
    %dma_start3A_128 = tpu.memref_slice %arg7[%dma_start3A_127] : memref<10000xi32, #tpu.memory_space<vmem>> -> memref<40xi32, #tpu.memory_space<vmem>>
    %dma_start3A_129 = arith.constant 0 : i32
    %dma_start3A_130 = arith.constant 0 : i32
    %dma_start3A_131 = tpu.memref_slice %arg2[%dma_start3A_129, %dma_start3A_130] : memref<10000x128xf32, #tpu.memory_space<hbm>> -> memref<10000x128xf32, #tpu.memory_space<hbm>>
    tpu.enqueue_indirect_dma source(%dma_start3A_131 : memref<10000x128xf32, #tpu.memory_space<hbm>>) target(%arg12 : memref<40x128xf32, #tpu.memory_space<vmem>>) offsets(%dma_start3A_128 : memref<40xi32, #tpu.memory_space<vmem>>) semaphore(%arg18 : memref<!tpu.dma_semaphore, #tpu.memory_space<semaphore_mem>>)
    %scan3A_132 = arith.constant 0 : i32
    %scan3A_133 = arith.constant 48 : i32
    %scan3A_134 = arith.addi %scan3A_132, %scan3A_133 : i32
    %scan3A_135 = arith.constant 1 : i32
    scf.for %scan3A_300 = %scan3A_132 to %scan3A_134 step %scan3A_135  : i32 {
      %mul3A_301 = arith.constant 1 : i32
      %mul3A_302 = arith.muli %scan3A_300, %mul3A_301 : i32
      %add3A_303 = arith.constant 0 : i32
      %add3A_304 = arith.addi %add3A_303, %mul3A_302 : i32
      %add3A_305 = arith.constant 1 : i32
      %add3A_306 = arith.addi %add3A_304, %add3A_305 : i32
      %mul3A_307 = arith.constant 5 : i32
      %mul3A_308 = arith.muli %add3A_306, %mul3A_307 : i32
      %add3A_309 = arith.constant 0 : i32
      %add3A_310 = arith.addi %mul3A_308, %add3A_309 : i32
      %mul3A_311 = arith.constant 40 : i32
      %mul3A_312 = arith.muli %add3A_310, %mul3A_311 : i32
      %dma_wait3A_313 = tpu.memref_slice %arg7[%mul3A_312] : memref<10000xi32, #tpu.memory_space<vmem>> -> memref<40xi32, #tpu.memory_space<vmem>>
      %dma_wait3A_314 = arith.constant 0 : i32
      %dma_wait3A_315 = arith.constant 0 : i32
      %dma_wait3A_316 = tpu.memref_slice %arg2[%dma_wait3A_314, %dma_wait3A_315] : memref<10000x128xf32, #tpu.memory_space<hbm>> -> memref<10000x128xf32, #tpu.memory_space<hbm>>
      tpu.wait_indirect_dma semaphore(%arg15 : memref<!tpu.dma_semaphore, #tpu.memory_space<semaphore_mem>>) src(%dma_wait3A_316 : memref<10000x128xf32, #tpu.memory_space<hbm>>) dst(%arg9 : memref<40x128xf32, #tpu.memory_space<vmem>>)
      %mul3A_317 = arith.constant 5 : i32
      %mul3A_318 = arith.muli %add3A_306, %mul3A_317 : i32
      %add3A_319 = arith.constant 0 : i32
      %add3A_320 = arith.addi %mul3A_318, %add3A_319 : i32
      %mul3A_321 = arith.constant 40 : i32
      %mul3A_322 = arith.muli %add3A_320, %mul3A_321 : i32
      %dma_start3A_323 = tpu.memref_slice %arg8[%mul3A_322] : memref<10000xi32, #tpu.memory_space<vmem>> -> memref<40xi32, #tpu.memory_space<vmem>>
      %dma_start3A_324 = arith.constant 0 : i32
      %dma_start3A_325 = arith.constant 0 : i32
      %dma_start3A_326 = tpu.memref_slice %arg6[%dma_start3A_324, %dma_start3A_325] : memref<10240x128xf32, #tpu.memory_space<vmem_shared>> -> memref<10240x128xf32, #tpu.memory_space<vmem_shared>>
      tpu.enqueue_indirect_dma source(%arg9 : memref<40x128xf32, #tpu.memory_space<vmem>>) target(%dma_start3A_326 : memref<10240x128xf32, #tpu.memory_space<vmem_shared>>) offsets(%dma_start3A_323 : memref<40xi32, #tpu.memory_space<vmem>>) semaphore(%arg20 : memref<!tpu.dma_semaphore, #tpu.memory_space<semaphore_mem>>) {add = true}
      %sub3A = arith.constant 1 : i32
      %sub3A_327 = arith.subi %add3A_306, %sub3A : i32
      %mul3A_328 = arith.constant 5 : i32
      %mul3A_329 = arith.muli %sub3A_327, %mul3A_328 : i32
      %add3A_330 = arith.constant 4 : i32
      %add3A_331 = arith.addi %mul3A_329, %add3A_330 : i32
      %mul3A_332 = arith.constant 40 : i32
      %mul3A_333 = arith.muli %add3A_331, %mul3A_332 : i32
      %dma_wait3A_334 = tpu.memref_slice %arg8[%mul3A_333] : memref<10000xi32, #tpu.memory_space<vmem>> -> memref<40xi32, #tpu.memory_space<vmem>>
      %dma_wait3A_335 = arith.constant 0 : i32
      %dma_wait3A_336 = arith.constant 0 : i32
      %dma_wait3A_337 = tpu.memref_slice %arg6[%dma_wait3A_335, %dma_wait3A_336] : memref<10240x128xf32, #tpu.memory_space<vmem_shared>> -> memref<10240x128xf32, #tpu.memory_space<vmem_shared>>
      tpu.wait_indirect_dma semaphore(%arg24 : memref<!tpu.dma_semaphore, #tpu.memory_space<semaphore_mem>>) src(%arg13 : memref<40x128xf32, #tpu.memory_space<vmem>>) dst(%dma_wait3A_337 : memref<10240x128xf32, #tpu.memory_space<vmem_shared>>)
      %mul3A_338 = arith.constant 5 : i32
      %mul3A_339 = arith.muli %add3A_306, %mul3A_338 : i32
      %add3A_340 = arith.constant 4 : i32
      %add3A_341 = arith.addi %mul3A_339, %add3A_340 : i32
      %mul3A_342 = arith.constant 40 : i32
      %mul3A_343 = arith.muli %add3A_341, %mul3A_342 : i32
      %dma_start3A_344 = tpu.memref_slice %arg7[%mul3A_343] : memref<10000xi32, #tpu.memory_space<vmem>> -> memref<40xi32, #tpu.memory_space<vmem>>
      %dma_start3A_345 = arith.constant 0 : i32
      %dma_start3A_346 = arith.constant 0 : i32
      %dma_start3A_347 = tpu.memref_slice %arg2[%dma_start3A_345, %dma_start3A_346] : memref<10000x128xf32, #tpu.memory_space<hbm>> -> memref<10000x128xf32, #tpu.memory_space<hbm>>
      tpu.enqueue_indirect_dma source(%dma_start3A_347 : memref<10000x128xf32, #tpu.memory_space<hbm>>) target(%arg13 : memref<40x128xf32, #tpu.memory_space<vmem>>) offsets(%dma_start3A_344 : memref<40xi32, #tpu.memory_space<vmem>>) semaphore(%arg19 : memref<!tpu.dma_semaphore, #tpu.memory_space<semaphore_mem>>)
      %add3A_348 = arith.constant 1 : i32
      %add3A_349 = arith.addi %add3A_304, %add3A_348 : i32
      %mul3A_350 = arith.constant 5 : i32
      %mul3A_351 = arith.muli %add3A_349, %mul3A_350 : i32
      %add3A_352 = arith.constant 1 : i32
      %add3A_353 = arith.addi %mul3A_351, %add3A_352 : i32
      %mul3A_354 = arith.constant 40 : i32
      %mul3A_355 = arith.muli %add3A_353, %mul3A_354 : i32
      %dma_wait3A_356 = tpu.memref_slice %arg7[%mul3A_355] : memref<10000xi32, #tpu.memory_space<vmem>> -> memref<40xi32, #tpu.memory_space<vmem>>
      %dma_wait3A_357 = arith.constant 0 : i32
      %dma_wait3A_358 = arith.constant 0 : i32
      %dma_wait3A_359 = tpu.memref_slice %arg2[%dma_wait3A_357, %dma_wait3A_358] : memref<10000x128xf32, #tpu.memory_space<hbm>> -> memref<10000x128xf32, #tpu.memory_space<hbm>>
      tpu.wait_indirect_dma semaphore(%arg16 : memref<!tpu.dma_semaphore, #tpu.memory_space<semaphore_mem>>) src(%dma_wait3A_359 : memref<10000x128xf32, #tpu.memory_space<hbm>>) dst(%arg10 : memref<40x128xf32, #tpu.memory_space<vmem>>)
      %mul3A_360 = arith.constant 5 : i32
      %mul3A_361 = arith.muli %add3A_349, %mul3A_360 : i32
      %add3A_362 = arith.constant 1 : i32
      %add3A_363 = arith.addi %mul3A_361, %add3A_362 : i32
      %mul3A_364 = arith.constant 40 : i32
      %mul3A_365 = arith.muli %add3A_363, %mul3A_364 : i32
      %dma_start3A_366 = tpu.memref_slice %arg8[%mul3A_365] : memref<10000xi32, #tpu.memory_space<vmem>> -> memref<40xi32, #tpu.memory_space<vmem>>
      %dma_start3A_367 = arith.constant 0 : i32
      %dma_start3A_368 = arith.constant 0 : i32
      %dma_start3A_369 = tpu.memref_slice %arg6[%dma_start3A_367, %dma_start3A_368] : memref<10240x128xf32, #tpu.memory_space<vmem_shared>> -> memref<10240x128xf32, #tpu.memory_space<vmem_shared>>
      tpu.enqueue_indirect_dma source(%arg10 : memref<40x128xf32, #tpu.memory_space<vmem>>) target(%dma_start3A_369 : memref<10240x128xf32, #tpu.memory_space<vmem_shared>>) offsets(%dma_start3A_366 : memref<40xi32, #tpu.memory_space<vmem>>) semaphore(%arg21 : memref<!tpu.dma_semaphore, #tpu.memory_space<semaphore_mem>>) {add = true}
      %mul3A_370 = arith.constant 5 : i32
      %mul3A_371 = arith.muli %add3A_349, %mul3A_370 : i32
      %add3A_372 = arith.constant 0 : i32
      %add3A_373 = arith.addi %mul3A_371, %add3A_372 : i32
      %mul3A_374 = arith.constant 40 : i32
      %mul3A_375 = arith.muli %add3A_373, %mul3A_374 : i32
      %dma_wait3A_376 = tpu.memref_slice %arg8[%mul3A_375] : memref<10000xi32, #tpu.memory_space<vmem>> -> memref<40xi32, #tpu.memory_space<vmem>>
      %dma_wait3A_377 = arith.constant 0 : i32
      %dma_wait3A_378 = arith.constant 0 : i32
      %dma_wait3A_379 = tpu.memref_slice %arg6[%dma_wait3A_377, %dma_wait3A_378] : memref<10240x128xf32, #tpu.memory_space<vmem_shared>> -> memref<10240x128xf32, #tpu.memory_space<vmem_shared>>
      tpu.wait_indirect_dma semaphore(%arg20 : memref<!tpu.dma_semaphore, #tpu.memory_space<semaphore_mem>>) src(%arg9 : memref<40x128xf32, #tpu.memory_space<vmem>>) dst(%dma_wait3A_379 : memref<10240x128xf32, #tpu.memory_space<vmem_shared>>)
      %add3A_380 = arith.constant 1 : i32
      %add3A_381 = arith.addi %add3A_349, %add3A_380 : i32
      %mul3A_382 = arith.constant 5 : i32
      %mul3A_383 = arith.muli %add3A_381, %mul3A_382 : i32
      %add3A_384 = arith.constant 0 : i32
      %add3A_385 = arith.addi %mul3A_383, %add3A_384 : i32
      %mul3A_386 = arith.constant 40 : i32
      %mul3A_387 = arith.muli %add3A_385, %mul3A_386 : i32
      %dma_start3A_388 = tpu.memref_slice %arg7[%mul3A_387] : memref<10000xi32, #tpu.memory_space<vmem>> -> memref<40xi32, #tpu.memory_space<vmem>>
      %dma_start3A_389 = arith.constant 0 : i32
      %dma_start3A_390 = arith.constant 0 : i32
      %dma_start3A_391 = tpu.memref_slice %arg2[%dma_start3A_389, %dma_start3A_390] : memref<10000x128xf32, #tpu.memory_space<hbm>> -> memref<10000x128xf32, #tpu.memory_space<hbm>>
      tpu.enqueue_indirect_dma source(%dma_start3A_391 : memref<10000x128xf32, #tpu.memory_space<hbm>>) target(%arg9 : memref<40x128xf32, #tpu.memory_space<vmem>>) offsets(%dma_start3A_388 : memref<40xi32, #tpu.memory_space<vmem>>) semaphore(%arg15 : memref<!tpu.dma_semaphore, #tpu.memory_space<semaphore_mem>>)
      %add3A_392 = arith.constant 1 : i32
      %add3A_393 = arith.addi %add3A_304, %add3A_392 : i32
      %mul3A_394 = arith.constant 5 : i32
      %mul3A_395 = arith.muli %add3A_393, %mul3A_394 : i32
      %add3A_396 = arith.constant 2 : i32
      %add3A_397 = arith.addi %mul3A_395, %add3A_396 : i32
      %mul3A_398 = arith.constant 40 : i32
      %mul3A_399 = arith.muli %add3A_397, %mul3A_398 : i32
      %dma_wait3A_400 = tpu.memref_slice %arg7[%mul3A_399] : memref<10000xi32, #tpu.memory_space<vmem>> -> memref<40xi32, #tpu.memory_space<vmem>>
      %dma_wait3A_401 = arith.constant 0 : i32
      %dma_wait3A_402 = arith.constant 0 : i32
      %dma_wait3A_403 = tpu.memref_slice %arg2[%dma_wait3A_401, %dma_wait3A_402] : memref<10000x128xf32, #tpu.memory_space<hbm>> -> memref<10000x128xf32, #tpu.memory_space<hbm>>
      tpu.wait_indirect_dma semaphore(%arg17 : memref<!tpu.dma_semaphore, #tpu.memory_space<semaphore_mem>>) src(%dma_wait3A_403 : memref<10000x128xf32, #tpu.memory_space<hbm>>) dst(%arg11 : memref<40x128xf32, #tpu.memory_space<vmem>>)
      %mul3A_404 = arith.constant 5 : i32
      %mul3A_405 = arith.muli %add3A_393, %mul3A_404 : i32
      %add3A_406 = arith.constant 2 : i32
      %add3A_407 = arith.addi %mul3A_405, %add3A_406 : i32
      %mul3A_408 = arith.constant 40 : i32
      %mul3A_409 = arith.muli %add3A_407, %mul3A_408 : i32
      %dma_start3A_410 = tpu.memref_slice %arg8[%mul3A_409] : memref<10000xi32, #tpu.memory_space<vmem>> -> memref<40xi32, #tpu.memory_space<vmem>>
      %dma_start3A_411 = arith.constant 0 : i32
      %dma_start3A_412 = arith.constant 0 : i32
      %dma_start3A_413 = tpu.memref_slice %arg6[%dma_start3A_411, %dma_start3A_412] : memref<10240x128xf32, #tpu.memory_space<vmem_shared>> -> memref<10240x128xf32, #tpu.memory_space<vmem_shared>>
      tpu.enqueue_indirect_dma source(%arg11 : memref<40x128xf32, #tpu.memory_space<vmem>>) target(%dma_start3A_413 : memref<10240x128xf32, #tpu.memory_space<vmem_shared>>) offsets(%dma_start3A_410 : memref<40xi32, #tpu.memory_space<vmem>>) semaphore(%arg22 : memref<!tpu.dma_semaphore, #tpu.memory_space<semaphore_mem>>) {add = true}
      %mul3A_414 = arith.constant 5 : i32
      %mul3A_415 = arith.muli %add3A_393, %mul3A_414 : i32
      %add3A_416 = arith.constant 1 : i32
      %add3A_417 = arith.addi %mul3A_415, %add3A_416 : i32
      %mul3A_418 = arith.constant 40 : i32
      %mul3A_419 = arith.muli %add3A_417, %mul3A_418 : i32
      %dma_wait3A_420 = tpu.memref_slice %arg8[%mul3A_419] : memref<10000xi32, #tpu.memory_space<vmem>> -> memref<40xi32, #tpu.memory_space<vmem>>
      %dma_wait3A_421 = arith.constant 0 : i32
      %dma_wait3A_422 = arith.constant 0 : i32
      %dma_wait3A_423 = tpu.memref_slice %arg6[%dma_wait3A_421, %dma_wait3A_422] : memref<10240x128xf32, #tpu.memory_space<vmem_shared>> -> memref<10240x128xf32, #tpu.memory_space<vmem_shared>>
      tpu.wait_indirect_dma semaphore(%arg21 : memref<!tpu.dma_semaphore, #tpu.memory_space<semaphore_mem>>) src(%arg10 : memref<40x128xf32, #tpu.memory_space<vmem>>) dst(%dma_wait3A_423 : memref<10240x128xf32, #tpu.memory_space<vmem_shared>>)
      %add3A_424 = arith.constant 1 : i32
      %add3A_425 = arith.addi %add3A_393, %add3A_424 : i32
      %mul3A_426 = arith.constant 5 : i32
      %mul3A_427 = arith.muli %add3A_425, %mul3A_426 : i32
      %add3A_428 = arith.constant 1 : i32
      %add3A_429 = arith.addi %mul3A_427, %add3A_428 : i32
      %mul3A_430 = arith.constant 40 : i32
      %mul3A_431 = arith.muli %add3A_429, %mul3A_430 : i32
      %dma_start3A_432 = tpu.memref_slice %arg7[%mul3A_431] : memref<10000xi32, #tpu.memory_space<vmem>> -> memref<40xi32, #tpu.memory_space<vmem>>
      %dma_start3A_433 = arith.constant 0 : i32
      %dma_start3A_434 = arith.constant 0 : i32
      %dma_start3A_435 = tpu.memref_slice %arg2[%dma_start3A_433, %dma_start3A_434] : memref<10000x128xf32, #tpu.memory_space<hbm>> -> memref<10000x128xf32, #tpu.memory_space<hbm>>
      tpu.enqueue_indirect_dma source(%dma_start3A_435 : memref<10000x128xf32, #tpu.memory_space<hbm>>) target(%arg10 : memref<40x128xf32, #tpu.memory_space<vmem>>) offsets(%dma_start3A_432 : memref<40xi32, #tpu.memory_space<vmem>>) semaphore(%arg16 : memref<!tpu.dma_semaphore, #tpu.memory_space<semaphore_mem>>)
      %add3A_436 = arith.constant 1 : i32
      %add3A_437 = arith.addi %add3A_304, %add3A_436 : i32
      %mul3A_438 = arith.constant 5 : i32
      %mul3A_439 = arith.muli %add3A_437, %mul3A_438 : i32
      %add3A_440 = arith.constant 3 : i32
      %add3A_441 = arith.addi %mul3A_439, %add3A_440 : i32
      %mul3A_442 = arith.constant 40 : i32
      %mul3A_443 = arith.muli %add3A_441, %mul3A_442 : i32
      %dma_wait3A_444 = tpu.memref_slice %arg7[%mul3A_443] : memref<10000xi32, #tpu.memory_space<vmem>> -> memref<40xi32, #tpu.memory_space<vmem>>
      %dma_wait3A_445 = arith.constant 0 : i32
      %dma_wait3A_446 = arith.constant 0 : i32
      %dma_wait3A_447 = tpu.memref_slice %arg2[%dma_wait3A_445, %dma_wait3A_446] : memref<10000x128xf32, #tpu.memory_space<hbm>> -> memref<10000x128xf32, #tpu.memory_space<hbm>>
      tpu.wait_indirect_dma semaphore(%arg18 : memref<!tpu.dma_semaphore, #tpu.memory_space<semaphore_mem>>) src(%dma_wait3A_447 : memref<10000x128xf32, #tpu.memory_space<hbm>>) dst(%arg12 : memref<40x128xf32, #tpu.memory_space<vmem>>)
      %mul3A_448 = arith.constant 5 : i32
      %mul3A_449 = arith.muli %add3A_437, %mul3A_448 : i32
      %add3A_450 = arith.constant 3 : i32
      %add3A_451 = arith.addi %mul3A_449, %add3A_450 : i32
      %mul3A_452 = arith.constant 40 : i32
      %mul3A_453 = arith.muli %add3A_451, %mul3A_452 : i32
      %dma_start3A_454 = tpu.memref_slice %arg8[%mul3A_453] : memref<10000xi32, #tpu.memory_space<vmem>> -> memref<40xi32, #tpu.memory_space<vmem>>
      %dma_start3A_455 = arith.constant 0 : i32
      %dma_start3A_456 = arith.constant 0 : i32
      %dma_start3A_457 = tpu.memref_slice %arg6[%dma_start3A_455, %dma_start3A_456] : memref<10240x128xf32, #tpu.memory_space<vmem_shared>> -> memref<10240x128xf32, #tpu.memory_space<vmem_shared>>
      tpu.enqueue_indirect_dma source(%arg12 : memref<40x128xf32, #tpu.memory_space<vmem>>) target(%dma_start3A_457 : memref<10240x128xf32, #tpu.memory_space<vmem_shared>>) offsets(%dma_start3A_454 : memref<40xi32, #tpu.memory_space<vmem>>) semaphore(%arg23 : memref<!tpu.dma_semaphore, #tpu.memory_space<semaphore_mem>>) {add = true}
      %mul3A_458 = arith.constant 5 : i32
      %mul3A_459 = arith.muli %add3A_437, %mul3A_458 : i32
      %add3A_460 = arith.constant 2 : i32
      %add3A_461 = arith.addi %mul3A_459, %add3A_460 : i32
      %mul3A_462 = arith.constant 40 : i32
      %mul3A_463 = arith.muli %add3A_461, %mul3A_462 : i32
      %dma_wait3A_464 = tpu.memref_slice %arg8[%mul3A_463] : memref<10000xi32, #tpu.memory_space<vmem>> -> memref<40xi32, #tpu.memory_space<vmem>>
      %dma_wait3A_465 = arith.constant 0 : i32
      %dma_wait3A_466 = arith.constant 0 : i32
      %dma_wait3A_467 = tpu.memref_slice %arg6[%dma_wait3A_465, %dma_wait3A_466] : memref<10240x128xf32, #tpu.memory_space<vmem_shared>> -> memref<10240x128xf32, #tpu.memory_space<vmem_shared>>
      tpu.wait_indirect_dma semaphore(%arg22 : memref<!tpu.dma_semaphore, #tpu.memory_space<semaphore_mem>>) src(%arg11 : memref<40x128xf32, #tpu.memory_space<vmem>>) dst(%dma_wait3A_467 : memref<10240x128xf32, #tpu.memory_space<vmem_shared>>)
      %add3A_468 = arith.constant 1 : i32
      %add3A_469 = arith.addi %add3A_437, %add3A_468 : i32
      %mul3A_470 = arith.constant 5 : i32
      %mul3A_471 = arith.muli %add3A_469, %mul3A_470 : i32
      %add3A_472 = arith.constant 2 : i32
      %add3A_473 = arith.addi %mul3A_471, %add3A_472 : i32
      %mul3A_474 = arith.constant 40 : i32
      %mul3A_475 = arith.muli %add3A_473, %mul3A_474 : i32
      %dma_start3A_476 = tpu.memref_slice %arg7[%mul3A_475] : memref<10000xi32, #tpu.memory_space<vmem>> -> memref<40xi32, #tpu.memory_space<vmem>>
      %dma_start3A_477 = arith.constant 0 : i32
      %dma_start3A_478 = arith.constant 0 : i32
      %dma_start3A_479 = tpu.memref_slice %arg2[%dma_start3A_477, %dma_start3A_478] : memref<10000x128xf32, #tpu.memory_space<hbm>> -> memref<10000x128xf32, #tpu.memory_space<hbm>>
      tpu.enqueue_indirect_dma source(%dma_start3A_479 : memref<10000x128xf32, #tpu.memory_space<hbm>>) target(%arg11 : memref<40x128xf32, #tpu.memory_space<vmem>>) offsets(%dma_start3A_476 : memref<40xi32, #tpu.memory_space<vmem>>) semaphore(%arg17 : memref<!tpu.dma_semaphore, #tpu.memory_space<semaphore_mem>>)
      %add3A_480 = arith.constant 1 : i32
      %add3A_481 = arith.addi %add3A_304, %add3A_480 : i32
      %mul3A_482 = arith.constant 5 : i32
      %mul3A_483 = arith.muli %add3A_481, %mul3A_482 : i32
      %add3A_484 = arith.constant 4 : i32
      %add3A_485 = arith.addi %mul3A_483, %add3A_484 : i32
      %mul3A_486 = arith.constant 40 : i32
      %mul3A_487 = arith.muli %add3A_485, %mul3A_486 : i32
      %dma_wait3A_488 = tpu.memref_slice %arg7[%mul3A_487] : memref<10000xi32, #tpu.memory_space<vmem>> -> memref<40xi32, #tpu.memory_space<vmem>>
      %dma_wait3A_489 = arith.constant 0 : i32
      %dma_wait3A_490 = arith.constant 0 : i32
      %dma_wait3A_491 = tpu.memref_slice %arg2[%dma_wait3A_489, %dma_wait3A_490] : memref<10000x128xf32, #tpu.memory_space<hbm>> -> memref<10000x128xf32, #tpu.memory_space<hbm>>
      tpu.wait_indirect_dma semaphore(%arg19 : memref<!tpu.dma_semaphore, #tpu.memory_space<semaphore_mem>>) src(%dma_wait3A_491 : memref<10000x128xf32, #tpu.memory_space<hbm>>) dst(%arg13 : memref<40x128xf32, #tpu.memory_space<vmem>>)
      %mul3A_492 = arith.constant 5 : i32
      %mul3A_493 = arith.muli %add3A_481, %mul3A_492 : i32
      %add3A_494 = arith.constant 4 : i32
      %add3A_495 = arith.addi %mul3A_493, %add3A_494 : i32
      %mul3A_496 = arith.constant 40 : i32
      %mul3A_497 = arith.muli %add3A_495, %mul3A_496 : i32
      %dma_start3A_498 = tpu.memref_slice %arg8[%mul3A_497] : memref<10000xi32, #tpu.memory_space<vmem>> -> memref<40xi32, #tpu.memory_space<vmem>>
      %dma_start3A_499 = arith.constant 0 : i32
      %dma_start3A_500 = arith.constant 0 : i32
      %dma_start3A_501 = tpu.memref_slice %arg6[%dma_start3A_499, %dma_start3A_500] : memref<10240x128xf32, #tpu.memory_space<vmem_shared>> -> memref<10240x128xf32, #tpu.memory_space<vmem_shared>>
      tpu.enqueue_indirect_dma source(%arg13 : memref<40x128xf32, #tpu.memory_space<vmem>>) target(%dma_start3A_501 : memref<10240x128xf32, #tpu.memory_space<vmem_shared>>) offsets(%dma_start3A_498 : memref<40xi32, #tpu.memory_space<vmem>>) semaphore(%arg24 : memref<!tpu.dma_semaphore, #tpu.memory_space<semaphore_mem>>) {add = true}
      %mul3A_502 = arith.constant 5 : i32
      %mul3A_503 = arith.muli %add3A_481, %mul3A_502 : i32
      %add3A_504 = arith.constant 3 : i32
      %add3A_505 = arith.addi %mul3A_503, %add3A_504 : i32
      %mul3A_506 = arith.constant 40 : i32
      %mul3A_507 = arith.muli %add3A_505, %mul3A_506 : i32
      %dma_wait3A_508 = tpu.memref_slice %arg8[%mul3A_507] : memref<10000xi32, #tpu.memory_space<vmem>> -> memref<40xi32, #tpu.memory_space<vmem>>
      %dma_wait3A_509 = arith.constant 0 : i32
      %dma_wait3A_510 = arith.constant 0 : i32
      %dma_wait3A_511 = tpu.memref_slice %arg6[%dma_wait3A_509, %dma_wait3A_510] : memref<10240x128xf32, #tpu.memory_space<vmem_shared>> -> memref<10240x128xf32, #tpu.memory_space<vmem_shared>>
      tpu.wait_indirect_dma semaphore(%arg23 : memref<!tpu.dma_semaphore, #tpu.memory_space<semaphore_mem>>) src(%arg12 : memref<40x128xf32, #tpu.memory_space<vmem>>) dst(%dma_wait3A_511 : memref<10240x128xf32, #tpu.memory_space<vmem_shared>>)
      %add3A_512 = arith.constant 1 : i32
      %add3A_513 = arith.addi %add3A_481, %add3A_512 : i32
      %mul3A_514 = arith.constant 5 : i32
      %mul3A_515 = arith.muli %add3A_513, %mul3A_514 : i32
      %add3A_516 = arith.constant 3 : i32
      %add3A_517 = arith.addi %mul3A_515, %add3A_516 : i32
      %mul3A_518 = arith.constant 40 : i32
      %mul3A_519 = arith.muli %add3A_517, %mul3A_518 : i32
      %dma_start3A_520 = tpu.memref_slice %arg7[%mul3A_519] : memref<10000xi32, #tpu.memory_space<vmem>> -> memref<40xi32, #tpu.memory_space<vmem>>
      %dma_start3A_521 = arith.constant 0 : i32
      %dma_start3A_522 = arith.constant 0 : i32
      %dma_start3A_523 = tpu.memref_slice %arg2[%dma_start3A_521, %dma_start3A_522] : memref<10000x128xf32, #tpu.memory_space<hbm>> -> memref<10000x128xf32, #tpu.memory_space<hbm>>
      tpu.enqueue_indirect_dma source(%dma_start3A_523 : memref<10000x128xf32, #tpu.memory_space<hbm>>) target(%arg12 : memref<40x128xf32, #tpu.memory_space<vmem>>) offsets(%dma_start3A_520 : memref<40xi32, #tpu.memory_space<vmem>>) semaphore(%arg18 : memref<!tpu.dma_semaphore, #tpu.memory_space<semaphore_mem>>)
    }
    %scan3A_136 = arith.constant 48 : i32
    %dma_wait3A_137 = arith.constant 9800 : i32
    %dma_wait3A_138 = tpu.memref_slice %arg7[%dma_wait3A_137] : memref<10000xi32, #tpu.memory_space<vmem>> -> memref<40xi32, #tpu.memory_space<vmem>>
    %dma_wait3A_139 = arith.constant 0 : i32
    %dma_wait3A_140 = arith.constant 0 : i32
    %dma_wait3A_141 = tpu.memref_slice %arg2[%dma_wait3A_139, %dma_wait3A_140] : memref<10000x128xf32, #tpu.memory_space<hbm>> -> memref<10000x128xf32, #tpu.memory_space<hbm>>
    tpu.wait_indirect_dma semaphore(%arg15 : memref<!tpu.dma_semaphore, #tpu.memory_space<semaphore_mem>>) src(%dma_wait3A_141 : memref<10000x128xf32, #tpu.memory_space<hbm>>) dst(%arg9 : memref<40x128xf32, #tpu.memory_space<vmem>>)
    %dma_start3A_142 = arith.constant 9800 : i32
    %dma_start3A_143 = tpu.memref_slice %arg8[%dma_start3A_142] : memref<10000xi32, #tpu.memory_space<vmem>> -> memref<40xi32, #tpu.memory_space<vmem>>
    %dma_start3A_144 = arith.constant 0 : i32
    %dma_start3A_145 = arith.constant 0 : i32
    %dma_start3A_146 = tpu.memref_slice %arg6[%dma_start3A_144, %dma_start3A_145] : memref<10240x128xf32, #tpu.memory_space<vmem_shared>> -> memref<10240x128xf32, #tpu.memory_space<vmem_shared>>
    tpu.enqueue_indirect_dma source(%arg9 : memref<40x128xf32, #tpu.memory_space<vmem>>) target(%dma_start3A_146 : memref<10240x128xf32, #tpu.memory_space<vmem_shared>>) offsets(%dma_start3A_143 : memref<40xi32, #tpu.memory_space<vmem>>) semaphore(%arg20 : memref<!tpu.dma_semaphore, #tpu.memory_space<semaphore_mem>>) {add = true}
    %dma_wait3A_147 = arith.constant 9760 : i32
    %dma_wait3A_148 = tpu.memref_slice %arg8[%dma_wait3A_147] : memref<10000xi32, #tpu.memory_space<vmem>> -> memref<40xi32, #tpu.memory_space<vmem>>
    %dma_wait3A_149 = arith.constant 0 : i32
    %dma_wait3A_150 = arith.constant 0 : i32
    %dma_wait3A_151 = tpu.memref_slice %arg6[%dma_wait3A_149, %dma_wait3A_150] : memref<10240x128xf32, #tpu.memory_space<vmem_shared>> -> memref<10240x128xf32, #tpu.memory_space<vmem_shared>>
    tpu.wait_indirect_dma semaphore(%arg24 : memref<!tpu.dma_semaphore, #tpu.memory_space<semaphore_mem>>) src(%arg13 : memref<40x128xf32, #tpu.memory_space<vmem>>) dst(%dma_wait3A_151 : memref<10240x128xf32, #tpu.memory_space<vmem_shared>>)
    %dma_start3A_152 = arith.constant 9960 : i32
    %dma_start3A_153 = tpu.memref_slice %arg7[%dma_start3A_152] : memref<10000xi32, #tpu.memory_space<vmem>> -> memref<40xi32, #tpu.memory_space<vmem>>
    %dma_start3A_154 = arith.constant 0 : i32
    %dma_start3A_155 = arith.constant 0 : i32
    %dma_start3A_156 = tpu.memref_slice %arg2[%dma_start3A_154, %dma_start3A_155] : memref<10000x128xf32, #tpu.memory_space<hbm>> -> memref<10000x128xf32, #tpu.memory_space<hbm>>
    tpu.enqueue_indirect_dma source(%dma_start3A_156 : memref<10000x128xf32, #tpu.memory_space<hbm>>) target(%arg13 : memref<40x128xf32, #tpu.memory_space<vmem>>) offsets(%dma_start3A_153 : memref<40xi32, #tpu.memory_space<vmem>>) semaphore(%arg19 : memref<!tpu.dma_semaphore, #tpu.memory_space<semaphore_mem>>)
    %dma_wait3A_157 = arith.constant 9840 : i32
    %dma_wait3A_158 = tpu.memref_slice %arg7[%dma_wait3A_157] : memref<10000xi32, #tpu.memory_space<vmem>> -> memref<40xi32, #tpu.memory_space<vmem>>
    %dma_wait3A_159 = arith.constant 0 : i32
    %dma_wait3A_160 = arith.constant 0 : i32
    %dma_wait3A_161 = tpu.memref_slice %arg2[%dma_wait3A_159, %dma_wait3A_160] : memref<10000x128xf32, #tpu.memory_space<hbm>> -> memref<10000x128xf32, #tpu.memory_space<hbm>>
    tpu.wait_indirect_dma semaphore(%arg16 : memref<!tpu.dma_semaphore, #tpu.memory_space<semaphore_mem>>) src(%dma_wait3A_161 : memref<10000x128xf32, #tpu.memory_space<hbm>>) dst(%arg10 : memref<40x128xf32, #tpu.memory_space<vmem>>)
    %dma_start3A_162 = arith.constant 9840 : i32
    %dma_start3A_163 = tpu.memref_slice %arg8[%dma_start3A_162] : memref<10000xi32, #tpu.memory_space<vmem>> -> memref<40xi32, #tpu.memory_space<vmem>>
    %dma_start3A_164 = arith.constant 0 : i32
    %dma_start3A_165 = arith.constant 0 : i32
    %dma_start3A_166 = tpu.memref_slice %arg6[%dma_start3A_164, %dma_start3A_165] : memref<10240x128xf32, #tpu.memory_space<vmem_shared>> -> memref<10240x128xf32, #tpu.memory_space<vmem_shared>>
    tpu.enqueue_indirect_dma source(%arg10 : memref<40x128xf32, #tpu.memory_space<vmem>>) target(%dma_start3A_166 : memref<10240x128xf32, #tpu.memory_space<vmem_shared>>) offsets(%dma_start3A_163 : memref<40xi32, #tpu.memory_space<vmem>>) semaphore(%arg21 : memref<!tpu.dma_semaphore, #tpu.memory_space<semaphore_mem>>) {add = true}
    %dma_wait3A_167 = arith.constant 9800 : i32
    %dma_wait3A_168 = tpu.memref_slice %arg8[%dma_wait3A_167] : memref<10000xi32, #tpu.memory_space<vmem>> -> memref<40xi32, #tpu.memory_space<vmem>>
    %dma_wait3A_169 = arith.constant 0 : i32
    %dma_wait3A_170 = arith.constant 0 : i32
    %dma_wait3A_171 = tpu.memref_slice %arg6[%dma_wait3A_169, %dma_wait3A_170] : memref<10240x128xf32, #tpu.memory_space<vmem_shared>> -> memref<10240x128xf32, #tpu.memory_space<vmem_shared>>
    tpu.wait_indirect_dma semaphore(%arg20 : memref<!tpu.dma_semaphore, #tpu.memory_space<semaphore_mem>>) src(%arg9 : memref<40x128xf32, #tpu.memory_space<vmem>>) dst(%dma_wait3A_171 : memref<10240x128xf32, #tpu.memory_space<vmem_shared>>)
    %dma_wait3A_172 = arith.constant 9880 : i32
    %dma_wait3A_173 = tpu.memref_slice %arg7[%dma_wait3A_172] : memref<10000xi32, #tpu.memory_space<vmem>> -> memref<40xi32, #tpu.memory_space<vmem>>
    %dma_wait3A_174 = arith.constant 0 : i32
    %dma_wait3A_175 = arith.constant 0 : i32
    %dma_wait3A_176 = tpu.memref_slice %arg2[%dma_wait3A_174, %dma_wait3A_175] : memref<10000x128xf32, #tpu.memory_space<hbm>> -> memref<10000x128xf32, #tpu.memory_space<hbm>>
    tpu.wait_indirect_dma semaphore(%arg17 : memref<!tpu.dma_semaphore, #tpu.memory_space<semaphore_mem>>) src(%dma_wait3A_176 : memref<10000x128xf32, #tpu.memory_space<hbm>>) dst(%arg11 : memref<40x128xf32, #tpu.memory_space<vmem>>)
    %dma_start3A_177 = arith.constant 9880 : i32
    %dma_start3A_178 = tpu.memref_slice %arg8[%dma_start3A_177] : memref<10000xi32, #tpu.memory_space<vmem>> -> memref<40xi32, #tpu.memory_space<vmem>>
    %dma_start3A_179 = arith.constant 0 : i32
    %dma_start3A_180 = arith.constant 0 : i32
    %dma_start3A_181 = tpu.memref_slice %arg6[%dma_start3A_179, %dma_start3A_180] : memref<10240x128xf32, #tpu.memory_space<vmem_shared>> -> memref<10240x128xf32, #tpu.memory_space<vmem_shared>>
    tpu.enqueue_indirect_dma source(%arg11 : memref<40x128xf32, #tpu.memory_space<vmem>>) target(%dma_start3A_181 : memref<10240x128xf32, #tpu.memory_space<vmem_shared>>) offsets(%dma_start3A_178 : memref<40xi32, #tpu.memory_space<vmem>>) semaphore(%arg22 : memref<!tpu.dma_semaphore, #tpu.memory_space<semaphore_mem>>) {add = true}
    %dma_wait3A_182 = arith.constant 9840 : i32
    %dma_wait3A_183 = tpu.memref_slice %arg8[%dma_wait3A_182] : memref<10000xi32, #tpu.memory_space<vmem>> -> memref<40xi32, #tpu.memory_space<vmem>>
    %dma_wait3A_184 = arith.constant 0 : i32
    %dma_wait3A_185 = arith.constant 0 : i32
    %dma_wait3A_186 = tpu.memref_slice %arg6[%dma_wait3A_184, %dma_wait3A_185] : memref<10240x128xf32, #tpu.memory_space<vmem_shared>> -> memref<10240x128xf32, #tpu.memory_space<vmem_shared>>
    tpu.wait_indirect_dma semaphore(%arg21 : memref<!tpu.dma_semaphore, #tpu.memory_space<semaphore_mem>>) src(%arg10 : memref<40x128xf32, #tpu.memory_space<vmem>>) dst(%dma_wait3A_186 : memref<10240x128xf32, #tpu.memory_space<vmem_shared>>)
    %dma_wait3A_187 = arith.constant 9920 : i32
    %dma_wait3A_188 = tpu.memref_slice %arg7[%dma_wait3A_187] : memref<10000xi32, #tpu.memory_space<vmem>> -> memref<40xi32, #tpu.memory_space<vmem>>
    %dma_wait3A_189 = arith.constant 0 : i32
    %dma_wait3A_190 = arith.constant 0 : i32
    %dma_wait3A_191 = tpu.memref_slice %arg2[%dma_wait3A_189, %dma_wait3A_190] : memref<10000x128xf32, #tpu.memory_space<hbm>> -> memref<10000x128xf32, #tpu.memory_space<hbm>>
    tpu.wait_indirect_dma semaphore(%arg18 : memref<!tpu.dma_semaphore, #tpu.memory_space<semaphore_mem>>) src(%dma_wait3A_191 : memref<10000x128xf32, #tpu.memory_space<hbm>>) dst(%arg12 : memref<40x128xf32, #tpu.memory_space<vmem>>)
    %dma_start3A_192 = arith.constant 9920 : i32
    %dma_start3A_193 = tpu.memref_slice %arg8[%dma_start3A_192] : memref<10000xi32, #tpu.memory_space<vmem>> -> memref<40xi32, #tpu.memory_space<vmem>>
    %dma_start3A_194 = arith.constant 0 : i32
    %dma_start3A_195 = arith.constant 0 : i32
    %dma_start3A_196 = tpu.memref_slice %arg6[%dma_start3A_194, %dma_start3A_195] : memref<10240x128xf32, #tpu.memory_space<vmem_shared>> -> memref<10240x128xf32, #tpu.memory_space<vmem_shared>>
    tpu.enqueue_indirect_dma source(%arg12 : memref<40x128xf32, #tpu.memory_space<vmem>>) target(%dma_start3A_196 : memref<10240x128xf32, #tpu.memory_space<vmem_shared>>) offsets(%dma_start3A_193 : memref<40xi32, #tpu.memory_space<vmem>>) semaphore(%arg23 : memref<!tpu.dma_semaphore, #tpu.memory_space<semaphore_mem>>) {add = true}
    %dma_wait3A_197 = arith.constant 9880 : i32
    %dma_wait3A_198 = tpu.memref_slice %arg8[%dma_wait3A_197] : memref<10000xi32, #tpu.memory_space<vmem>> -> memref<40xi32, #tpu.memory_space<vmem>>
    %dma_wait3A_199 = arith.constant 0 : i32
    %dma_wait3A_200 = arith.constant 0 : i32
    %dma_wait3A_201 = tpu.memref_slice %arg6[%dma_wait3A_199, %dma_wait3A_200] : memref<10240x128xf32, #tpu.memory_space<vmem_shared>> -> memref<10240x128xf32, #tpu.memory_space<vmem_shared>>
    tpu.wait_indirect_dma semaphore(%arg22 : memref<!tpu.dma_semaphore, #tpu.memory_space<semaphore_mem>>) src(%arg11 : memref<40x128xf32, #tpu.memory_space<vmem>>) dst(%dma_wait3A_201 : memref<10240x128xf32, #tpu.memory_space<vmem_shared>>)
    %dma_wait3A_202 = arith.constant 9960 : i32
    %dma_wait3A_203 = tpu.memref_slice %arg7[%dma_wait3A_202] : memref<10000xi32, #tpu.memory_space<vmem>> -> memref<40xi32, #tpu.memory_space<vmem>>
    %dma_wait3A_204 = arith.constant 0 : i32
    %dma_wait3A_205 = arith.constant 0 : i32
    %dma_wait3A_206 = tpu.memref_slice %arg2[%dma_wait3A_204, %dma_wait3A_205] : memref<10000x128xf32, #tpu.memory_space<hbm>> -> memref<10000x128xf32, #tpu.memory_space<hbm>>
    tpu.wait_indirect_dma semaphore(%arg19 : memref<!tpu.dma_semaphore, #tpu.memory_space<semaphore_mem>>) src(%dma_wait3A_206 : memref<10000x128xf32, #tpu.memory_space<hbm>>) dst(%arg13 : memref<40x128xf32, #tpu.memory_space<vmem>>)
    %dma_start3A_207 = arith.constant 9960 : i32
    %dma_start3A_208 = tpu.memref_slice %arg8[%dma_start3A_207] : memref<10000xi32, #tpu.memory_space<vmem>> -> memref<40xi32, #tpu.memory_space<vmem>>
    %dma_start3A_209 = arith.constant 0 : i32
    %dma_start3A_210 = arith.constant 0 : i32
    %dma_start3A_211 = tpu.memref_slice %arg6[%dma_start3A_209, %dma_start3A_210] : memref<10240x128xf32, #tpu.memory_space<vmem_shared>> -> memref<10240x128xf32, #tpu.memory_space<vmem_shared>>
    tpu.enqueue_indirect_dma source(%arg13 : memref<40x128xf32, #tpu.memory_space<vmem>>) target(%dma_start3A_211 : memref<10240x128xf32, #tpu.memory_space<vmem_shared>>) offsets(%dma_start3A_208 : memref<40xi32, #tpu.memory_space<vmem>>) semaphore(%arg24 : memref<!tpu.dma_semaphore, #tpu.memory_space<semaphore_mem>>) {add = true}
    %dma_wait3A_212 = arith.constant 9920 : i32
    %dma_wait3A_213 = tpu.memref_slice %arg8[%dma_wait3A_212] : memref<10000xi32, #tpu.memory_space<vmem>> -> memref<40xi32, #tpu.memory_space<vmem>>
    %dma_wait3A_214 = arith.constant 0 : i32
    %dma_wait3A_215 = arith.constant 0 : i32
    %dma_wait3A_216 = tpu.memref_slice %arg6[%dma_wait3A_214, %dma_wait3A_215] : memref<10240x128xf32, #tpu.memory_space<vmem_shared>> -> memref<10240x128xf32, #tpu.memory_space<vmem_shared>>
    tpu.wait_indirect_dma semaphore(%arg23 : memref<!tpu.dma_semaphore, #tpu.memory_space<semaphore_mem>>) src(%arg12 : memref<40x128xf32, #tpu.memory_space<vmem>>) dst(%dma_wait3A_216 : memref<10240x128xf32, #tpu.memory_space<vmem_shared>>)
    %dma_wait3A_217 = arith.constant 9960 : i32
    %dma_wait3A_218 = tpu.memref_slice %arg8[%dma_wait3A_217] : memref<10000xi32, #tpu.memory_space<vmem>> -> memref<40xi32, #tpu.memory_space<vmem>>
    %dma_wait3A_219 = arith.constant 0 : i32
    %dma_wait3A_220 = arith.constant 0 : i32
    %dma_wait3A_221 = tpu.memref_slice %arg6[%dma_wait3A_219, %dma_wait3A_220] : memref<10240x128xf32, #tpu.memory_space<vmem_shared>> -> memref<10240x128xf32, #tpu.memory_space<vmem_shared>>
    tpu.wait_indirect_dma semaphore(%arg24 : memref<!tpu.dma_semaphore, #tpu.memory_space<semaphore_mem>>) src(%arg13 : memref<40x128xf32, #tpu.memory_space<vmem>>) dst(%dma_wait3A_221 : memref<10240x128xf32, #tpu.memory_space<vmem_shared>>)
    %barrier3A_222 = arith.constant 0 : index
    tpu.barrier barrier_id(%barrier3A_222)
    %eq3A = arith.constant 0 : i32
    %eq3A_223 = arith.cmpi eq, %arg1, %eq3A : i32
    %convert_element_type3A = arith.extui %eq3A_223 : i1 to i32
    %cond3A = arith.constant 0 : i32
    %cond3A_224 = arith.cmpi ne, %convert_element_type3A, %cond3A : i32
    scf.if %cond3A_224 {
      "tpu.region"() ({
        %run_scoped3A = tpu.sem_alloc : memref<!tpu.dma_semaphore, #tpu.memory_space<semaphore_mem>>
        %dma_start3A_300 = arith.constant 0 : i32
        %dma_start3A_301 = arith.constant 0 : i32
        %dma_start3A_302 = tpu.memref_slice %arg5[%add3A, %dma_start3A_300, %dma_start3A_301] : memref<32x640x128xf32, #tpu.memory_space<hbm>> -> memref<1x640x128xf32, #tpu.memory_space<hbm>>
        %dma_start3A_303 = tpu.memref_squeeze %dma_start3A_302 : memref<1x640x128xf32, #tpu.memory_space<hbm>> -> memref<640x128xf32, #tpu.memory_space<hbm>>
        %dma_start3A_304 = arith.constant 0 : i32
        %dma_start3A_305 = arith.constant 0 : i32
        %dma_start3A_306 = tpu.memref_slice %arg6[%dma_start3A_304, %dma_start3A_305] : memref<10240x128xf32, #tpu.memory_space<vmem_shared>> -> memref<640x128xf32, #tpu.memory_space<vmem_shared>>
        tpu.enqueue_dma source(%dma_start3A_306 : memref<640x128xf32, #tpu.memory_space<vmem_shared>>) target(%dma_start3A_303 : memref<640x128xf32, #tpu.memory_space<hbm>>) target_semaphore(%run_scoped3A : memref<!tpu.dma_semaphore, #tpu.memory_space<semaphore_mem>>)
        %dma_wait3A_307 = arith.constant 0 : i32
        %dma_wait3A_308 = arith.constant 0 : i32
        %dma_wait3A_309 = tpu.memref_slice %arg5[%add3A, %dma_wait3A_307, %dma_wait3A_308] : memref<32x640x128xf32, #tpu.memory_space<hbm>> -> memref<1x640x128xf32, #tpu.memory_space<hbm>>
        %dma_wait3A_310 = tpu.memref_squeeze %dma_wait3A_309 : memref<1x640x128xf32, #tpu.memory_space<hbm>> -> memref<640x128xf32, #tpu.memory_space<hbm>>
        %dma_wait3A_311 = arith.constant 0 : i32
        %dma_wait3A_312 = arith.constant 0 : i32
        %dma_wait3A_313 = tpu.memref_slice %arg6[%dma_wait3A_311, %dma_wait3A_312] : memref<10240x128xf32, #tpu.memory_space<vmem_shared>> -> memref<640x128xf32, #tpu.memory_space<vmem_shared>>
        tpu.wait_dma2 semaphore(%run_scoped3A : memref<!tpu.dma_semaphore, #tpu.memory_space<semaphore_mem>>) src(%dma_wait3A_313 : memref<640x128xf32, #tpu.memory_space<vmem_shared>>) dst(%dma_wait3A_310 : memref<640x128xf32, #tpu.memory_space<hbm>>)
        tpu.yield
      }) : () -> ()
    } else {
    }
    %eq3A_225 = arith.constant 1 : i32
    %eq3A_226 = arith.cmpi eq, %arg1, %eq3A_225 : i32
    %convert_element_type3A_227 = arith.extui %eq3A_226 : i1 to i32
    %cond3A_228 = arith.constant 0 : i32
    %cond3A_229 = arith.cmpi ne, %convert_element_type3A_227, %cond3A_228 : i32
    scf.if %cond3A_229 {
      "tpu.region"() ({
        %run_scoped3A = tpu.sem_alloc : memref<!tpu.dma_semaphore, #tpu.memory_space<semaphore_mem>>
        %dma_start3A_300 = arith.constant 0 : i32
        %dma_start3A_301 = arith.constant 0 : i32
        %dma_start3A_302 = tpu.memref_slice %arg5[%add3A, %dma_start3A_300, %dma_start3A_301] : memref<32x640x128xf32, #tpu.memory_space<hbm>> -> memref<1x640x128xf32, #tpu.memory_space<hbm>>
        %dma_start3A_303 = tpu.memref_squeeze %dma_start3A_302 : memref<1x640x128xf32, #tpu.memory_space<hbm>> -> memref<640x128xf32, #tpu.memory_space<hbm>>
        %dma_start3A_304 = arith.constant 640 : i32
        %dma_start3A_305 = arith.constant 0 : i32
        %dma_start3A_306 = tpu.memref_slice %arg6[%dma_start3A_304, %dma_start3A_305] : memref<10240x128xf32, #tpu.memory_space<vmem_shared>> -> memref<640x128xf32, #tpu.memory_space<vmem_shared>>
        tpu.enqueue_dma source(%dma_start3A_306 : memref<640x128xf32, #tpu.memory_space<vmem_shared>>) target(%dma_start3A_303 : memref<640x128xf32, #tpu.memory_space<hbm>>) target_semaphore(%run_scoped3A : memref<!tpu.dma_semaphore, #tpu.memory_space<semaphore_mem>>)
        %dma_wait3A_307 = arith.constant 0 : i32
        %dma_wait3A_308 = arith.constant 0 : i32
        %dma_wait3A_309 = tpu.memref_slice %arg5[%add3A, %dma_wait3A_307, %dma_wait3A_308] : memref<32x640x128xf32, #tpu.memory_space<hbm>> -> memref<1x640x128xf32, #tpu.memory_space<hbm>>
        %dma_wait3A_310 = tpu.memref_squeeze %dma_wait3A_309 : memref<1x640x128xf32, #tpu.memory_space<hbm>> -> memref<640x128xf32, #tpu.memory_space<hbm>>
        %dma_wait3A_311 = arith.constant 640 : i32
        %dma_wait3A_312 = arith.constant 0 : i32
        %dma_wait3A_313 = tpu.memref_slice %arg6[%dma_wait3A_311, %dma_wait3A_312] : memref<10240x128xf32, #tpu.memory_space<vmem_shared>> -> memref<640x128xf32, #tpu.memory_space<vmem_shared>>
        tpu.wait_dma2 semaphore(%run_scoped3A : memref<!tpu.dma_semaphore, #tpu.memory_space<semaphore_mem>>) src(%dma_wait3A_313 : memref<640x128xf32, #tpu.memory_space<vmem_shared>>) dst(%dma_wait3A_310 : memref<640x128xf32, #tpu.memory_space<hbm>>)
        tpu.yield
      }) : () -> ()
    } else {
    }
    %eq3A_230 = arith.constant 2 : i32
    %eq3A_231 = arith.cmpi eq, %arg1, %eq3A_230 : i32
    %convert_element_type3A_232 = arith.extui %eq3A_231 : i1 to i32
    %cond3A_233 = arith.constant 0 : i32
    %cond3A_234 = arith.cmpi ne, %convert_element_type3A_232, %cond3A_233 : i32
    scf.if %cond3A_234 {
      "tpu.region"() ({
        %run_scoped3A = tpu.sem_alloc : memref<!tpu.dma_semaphore, #tpu.memory_space<semaphore_mem>>
        %dma_start3A_300 = arith.constant 0 : i32
        %dma_start3A_301 = arith.constant 0 : i32
        %dma_start3A_302 = tpu.memref_slice %arg5[%add3A, %dma_start3A_300, %dma_start3A_301] : memref<32x640x128xf32, #tpu.memory_space<hbm>> -> memref<1x640x128xf32, #tpu.memory_space<hbm>>
        %dma_start3A_303 = tpu.memref_squeeze %dma_start3A_302 : memref<1x640x128xf32, #tpu.memory_space<hbm>> -> memref<640x128xf32, #tpu.memory_space<hbm>>
        %dma_start3A_304 = arith.constant 1280 : i32
        %dma_start3A_305 = arith.constant 0 : i32
        %dma_start3A_306 = tpu.memref_slice %arg6[%dma_start3A_304, %dma_start3A_305] : memref<10240x128xf32, #tpu.memory_space<vmem_shared>> -> memref<640x128xf32, #tpu.memory_space<vmem_shared>>
        tpu.enqueue_dma source(%dma_start3A_306 : memref<640x128xf32, #tpu.memory_space<vmem_shared>>) target(%dma_start3A_303 : memref<640x128xf32, #tpu.memory_space<hbm>>) target_semaphore(%run_scoped3A : memref<!tpu.dma_semaphore, #tpu.memory_space<semaphore_mem>>)
        %dma_wait3A_307 = arith.constant 0 : i32
        %dma_wait3A_308 = arith.constant 0 : i32
        %dma_wait3A_309 = tpu.memref_slice %arg5[%add3A, %dma_wait3A_307, %dma_wait3A_308] : memref<32x640x128xf32, #tpu.memory_space<hbm>> -> memref<1x640x128xf32, #tpu.memory_space<hbm>>
        %dma_wait3A_310 = tpu.memref_squeeze %dma_wait3A_309 : memref<1x640x128xf32, #tpu.memory_space<hbm>> -> memref<640x128xf32, #tpu.memory_space<hbm>>
        %dma_wait3A_311 = arith.constant 1280 : i32
        %dma_wait3A_312 = arith.constant 0 : i32
        %dma_wait3A_313 = tpu.memref_slice %arg6[%dma_wait3A_311, %dma_wait3A_312] : memref<10240x128xf32, #tpu.memory_space<vmem_shared>> -> memref<640x128xf32, #tpu.memory_space<vmem_shared>>
        tpu.wait_dma2 semaphore(%run_scoped3A : memref<!tpu.dma_semaphore, #tpu.memory_space<semaphore_mem>>) src(%dma_wait3A_313 : memref<640x128xf32, #tpu.memory_space<vmem_shared>>) dst(%dma_wait3A_310 : memref<640x128xf32, #tpu.memory_space<hbm>>)
        tpu.yield
      }) : () -> ()
    } else {
    }
    %eq3A_235 = arith.constant 3 : i32
    %eq3A_236 = arith.cmpi eq, %arg1, %eq3A_235 : i32
    %convert_element_type3A_237 = arith.extui %eq3A_236 : i1 to i32
    %cond3A_238 = arith.constant 0 : i32
    %cond3A_239 = arith.cmpi ne, %convert_element_type3A_237, %cond3A_238 : i32
    scf.if %cond3A_239 {
      "tpu.region"() ({
        %run_scoped3A = tpu.sem_alloc : memref<!tpu.dma_semaphore, #tpu.memory_space<semaphore_mem>>
        %dma_start3A_300 = arith.constant 0 : i32
        %dma_start3A_301 = arith.constant 0 : i32
        %dma_start3A_302 = tpu.memref_slice %arg5[%add3A, %dma_start3A_300, %dma_start3A_301] : memref<32x640x128xf32, #tpu.memory_space<hbm>> -> memref<1x640x128xf32, #tpu.memory_space<hbm>>
        %dma_start3A_303 = tpu.memref_squeeze %dma_start3A_302 : memref<1x640x128xf32, #tpu.memory_space<hbm>> -> memref<640x128xf32, #tpu.memory_space<hbm>>
        %dma_start3A_304 = arith.constant 1920 : i32
        %dma_start3A_305 = arith.constant 0 : i32
        %dma_start3A_306 = tpu.memref_slice %arg6[%dma_start3A_304, %dma_start3A_305] : memref<10240x128xf32, #tpu.memory_space<vmem_shared>> -> memref<640x128xf32, #tpu.memory_space<vmem_shared>>
        tpu.enqueue_dma source(%dma_start3A_306 : memref<640x128xf32, #tpu.memory_space<vmem_shared>>) target(%dma_start3A_303 : memref<640x128xf32, #tpu.memory_space<hbm>>) target_semaphore(%run_scoped3A : memref<!tpu.dma_semaphore, #tpu.memory_space<semaphore_mem>>)
        %dma_wait3A_307 = arith.constant 0 : i32
        %dma_wait3A_308 = arith.constant 0 : i32
        %dma_wait3A_309 = tpu.memref_slice %arg5[%add3A, %dma_wait3A_307, %dma_wait3A_308] : memref<32x640x128xf32, #tpu.memory_space<hbm>> -> memref<1x640x128xf32, #tpu.memory_space<hbm>>
        %dma_wait3A_310 = tpu.memref_squeeze %dma_wait3A_309 : memref<1x640x128xf32, #tpu.memory_space<hbm>> -> memref<640x128xf32, #tpu.memory_space<hbm>>
        %dma_wait3A_311 = arith.constant 1920 : i32
        %dma_wait3A_312 = arith.constant 0 : i32
        %dma_wait3A_313 = tpu.memref_slice %arg6[%dma_wait3A_311, %dma_wait3A_312] : memref<10240x128xf32, #tpu.memory_space<vmem_shared>> -> memref<640x128xf32, #tpu.memory_space<vmem_shared>>
        tpu.wait_dma2 semaphore(%run_scoped3A : memref<!tpu.dma_semaphore, #tpu.memory_space<semaphore_mem>>) src(%dma_wait3A_313 : memref<640x128xf32, #tpu.memory_space<vmem_shared>>) dst(%dma_wait3A_310 : memref<640x128xf32, #tpu.memory_space<hbm>>)
        tpu.yield
      }) : () -> ()
    } else {
    }
    %eq3A_240 = arith.constant 4 : i32
    %eq3A_241 = arith.cmpi eq, %arg1, %eq3A_240 : i32
    %convert_element_type3A_242 = arith.extui %eq3A_241 : i1 to i32
    %cond3A_243 = arith.constant 0 : i32
    %cond3A_244 = arith.cmpi ne, %convert_element_type3A_242, %cond3A_243 : i32
    scf.if %cond3A_244 {
      "tpu.region"() ({
        %run_scoped3A = tpu.sem_alloc : memref<!tpu.dma_semaphore, #tpu.memory_space<semaphore_mem>>
        %dma_start3A_300 = arith.constant 0 : i32
        %dma_start3A_301 = arith.constant 0 : i32
        %dma_start3A_302 = tpu.memref_slice %arg5[%add3A, %dma_start3A_300, %dma_start3A_301] : memref<32x640x128xf32, #tpu.memory_space<hbm>> -> memref<1x640x128xf32, #tpu.memory_space<hbm>>
        %dma_start3A_303 = tpu.memref_squeeze %dma_start3A_302 : memref<1x640x128xf32, #tpu.memory_space<hbm>> -> memref<640x128xf32, #tpu.memory_space<hbm>>
        %dma_start3A_304 = arith.constant 2560 : i32
        %dma_start3A_305 = arith.constant 0 : i32
        %dma_start3A_306 = tpu.memref_slice %arg6[%dma_start3A_304, %dma_start3A_305] : memref<10240x128xf32, #tpu.memory_space<vmem_shared>> -> memref<640x128xf32, #tpu.memory_space<vmem_shared>>
        tpu.enqueue_dma source(%dma_start3A_306 : memref<640x128xf32, #tpu.memory_space<vmem_shared>>) target(%dma_start3A_303 : memref<640x128xf32, #tpu.memory_space<hbm>>) target_semaphore(%run_scoped3A : memref<!tpu.dma_semaphore, #tpu.memory_space<semaphore_mem>>)
        %dma_wait3A_307 = arith.constant 0 : i32
        %dma_wait3A_308 = arith.constant 0 : i32
        %dma_wait3A_309 = tpu.memref_slice %arg5[%add3A, %dma_wait3A_307, %dma_wait3A_308] : memref<32x640x128xf32, #tpu.memory_space<hbm>> -> memref<1x640x128xf32, #tpu.memory_space<hbm>>
        %dma_wait3A_310 = tpu.memref_squeeze %dma_wait3A_309 : memref<1x640x128xf32, #tpu.memory_space<hbm>> -> memref<640x128xf32, #tpu.memory_space<hbm>>
        %dma_wait3A_311 = arith.constant 2560 : i32
        %dma_wait3A_312 = arith.constant 0 : i32
        %dma_wait3A_313 = tpu.memref_slice %arg6[%dma_wait3A_311, %dma_wait3A_312] : memref<10240x128xf32, #tpu.memory_space<vmem_shared>> -> memref<640x128xf32, #tpu.memory_space<vmem_shared>>
        tpu.wait_dma2 semaphore(%run_scoped3A : memref<!tpu.dma_semaphore, #tpu.memory_space<semaphore_mem>>) src(%dma_wait3A_313 : memref<640x128xf32, #tpu.memory_space<vmem_shared>>) dst(%dma_wait3A_310 : memref<640x128xf32, #tpu.memory_space<hbm>>)
        tpu.yield
      }) : () -> ()
    } else {
    }
    %eq3A_245 = arith.constant 5 : i32
    %eq3A_246 = arith.cmpi eq, %arg1, %eq3A_245 : i32
    %convert_element_type3A_247 = arith.extui %eq3A_246 : i1 to i32
    %cond3A_248 = arith.constant 0 : i32
    %cond3A_249 = arith.cmpi ne, %convert_element_type3A_247, %cond3A_248 : i32
    scf.if %cond3A_249 {
      "tpu.region"() ({
        %run_scoped3A = tpu.sem_alloc : memref<!tpu.dma_semaphore, #tpu.memory_space<semaphore_mem>>
        %dma_start3A_300 = arith.constant 0 : i32
        %dma_start3A_301 = arith.constant 0 : i32
        %dma_start3A_302 = tpu.memref_slice %arg5[%add3A, %dma_start3A_300, %dma_start3A_301] : memref<32x640x128xf32, #tpu.memory_space<hbm>> -> memref<1x640x128xf32, #tpu.memory_space<hbm>>
        %dma_start3A_303 = tpu.memref_squeeze %dma_start3A_302 : memref<1x640x128xf32, #tpu.memory_space<hbm>> -> memref<640x128xf32, #tpu.memory_space<hbm>>
        %dma_start3A_304 = arith.constant 3200 : i32
        %dma_start3A_305 = arith.constant 0 : i32
        %dma_start3A_306 = tpu.memref_slice %arg6[%dma_start3A_304, %dma_start3A_305] : memref<10240x128xf32, #tpu.memory_space<vmem_shared>> -> memref<640x128xf32, #tpu.memory_space<vmem_shared>>
        tpu.enqueue_dma source(%dma_start3A_306 : memref<640x128xf32, #tpu.memory_space<vmem_shared>>) target(%dma_start3A_303 : memref<640x128xf32, #tpu.memory_space<hbm>>) target_semaphore(%run_scoped3A : memref<!tpu.dma_semaphore, #tpu.memory_space<semaphore_mem>>)
        %dma_wait3A_307 = arith.constant 0 : i32
        %dma_wait3A_308 = arith.constant 0 : i32
        %dma_wait3A_309 = tpu.memref_slice %arg5[%add3A, %dma_wait3A_307, %dma_wait3A_308] : memref<32x640x128xf32, #tpu.memory_space<hbm>> -> memref<1x640x128xf32, #tpu.memory_space<hbm>>
        %dma_wait3A_310 = tpu.memref_squeeze %dma_wait3A_309 : memref<1x640x128xf32, #tpu.memory_space<hbm>> -> memref<640x128xf32, #tpu.memory_space<hbm>>
        %dma_wait3A_311 = arith.constant 3200 : i32
        %dma_wait3A_312 = arith.constant 0 : i32
        %dma_wait3A_313 = tpu.memref_slice %arg6[%dma_wait3A_311, %dma_wait3A_312] : memref<10240x128xf32, #tpu.memory_space<vmem_shared>> -> memref<640x128xf32, #tpu.memory_space<vmem_shared>>
        tpu.wait_dma2 semaphore(%run_scoped3A : memref<!tpu.dma_semaphore, #tpu.memory_space<semaphore_mem>>) src(%dma_wait3A_313 : memref<640x128xf32, #tpu.memory_space<vmem_shared>>) dst(%dma_wait3A_310 : memref<640x128xf32, #tpu.memory_space<hbm>>)
        tpu.yield
      }) : () -> ()
    } else {
    }
    %eq3A_250 = arith.constant 6 : i32
    %eq3A_251 = arith.cmpi eq, %arg1, %eq3A_250 : i32
    %convert_element_type3A_252 = arith.extui %eq3A_251 : i1 to i32
    %cond3A_253 = arith.constant 0 : i32
    %cond3A_254 = arith.cmpi ne, %convert_element_type3A_252, %cond3A_253 : i32
    scf.if %cond3A_254 {
      "tpu.region"() ({
        %run_scoped3A = tpu.sem_alloc : memref<!tpu.dma_semaphore, #tpu.memory_space<semaphore_mem>>
        %dma_start3A_300 = arith.constant 0 : i32
        %dma_start3A_301 = arith.constant 0 : i32
        %dma_start3A_302 = tpu.memref_slice %arg5[%add3A, %dma_start3A_300, %dma_start3A_301] : memref<32x640x128xf32, #tpu.memory_space<hbm>> -> memref<1x640x128xf32, #tpu.memory_space<hbm>>
        %dma_start3A_303 = tpu.memref_squeeze %dma_start3A_302 : memref<1x640x128xf32, #tpu.memory_space<hbm>> -> memref<640x128xf32, #tpu.memory_space<hbm>>
        %dma_start3A_304 = arith.constant 3840 : i32
        %dma_start3A_305 = arith.constant 0 : i32
        %dma_start3A_306 = tpu.memref_slice %arg6[%dma_start3A_304, %dma_start3A_305] : memref<10240x128xf32, #tpu.memory_space<vmem_shared>> -> memref<640x128xf32, #tpu.memory_space<vmem_shared>>
        tpu.enqueue_dma source(%dma_start3A_306 : memref<640x128xf32, #tpu.memory_space<vmem_shared>>) target(%dma_start3A_303 : memref<640x128xf32, #tpu.memory_space<hbm>>) target_semaphore(%run_scoped3A : memref<!tpu.dma_semaphore, #tpu.memory_space<semaphore_mem>>)
        %dma_wait3A_307 = arith.constant 0 : i32
        %dma_wait3A_308 = arith.constant 0 : i32
        %dma_wait3A_309 = tpu.memref_slice %arg5[%add3A, %dma_wait3A_307, %dma_wait3A_308] : memref<32x640x128xf32, #tpu.memory_space<hbm>> -> memref<1x640x128xf32, #tpu.memory_space<hbm>>
        %dma_wait3A_310 = tpu.memref_squeeze %dma_wait3A_309 : memref<1x640x128xf32, #tpu.memory_space<hbm>> -> memref<640x128xf32, #tpu.memory_space<hbm>>
        %dma_wait3A_311 = arith.constant 3840 : i32
        %dma_wait3A_312 = arith.constant 0 : i32
        %dma_wait3A_313 = tpu.memref_slice %arg6[%dma_wait3A_311, %dma_wait3A_312] : memref<10240x128xf32, #tpu.memory_space<vmem_shared>> -> memref<640x128xf32, #tpu.memory_space<vmem_shared>>
        tpu.wait_dma2 semaphore(%run_scoped3A : memref<!tpu.dma_semaphore, #tpu.memory_space<semaphore_mem>>) src(%dma_wait3A_313 : memref<640x128xf32, #tpu.memory_space<vmem_shared>>) dst(%dma_wait3A_310 : memref<640x128xf32, #tpu.memory_space<hbm>>)
        tpu.yield
      }) : () -> ()
    } else {
    }
    %eq3A_255 = arith.constant 7 : i32
    %eq3A_256 = arith.cmpi eq, %arg1, %eq3A_255 : i32
    %convert_element_type3A_257 = arith.extui %eq3A_256 : i1 to i32
    %cond3A_258 = arith.constant 0 : i32
    %cond3A_259 = arith.cmpi ne, %convert_element_type3A_257, %cond3A_258 : i32
    scf.if %cond3A_259 {
      "tpu.region"() ({
        %run_scoped3A = tpu.sem_alloc : memref<!tpu.dma_semaphore, #tpu.memory_space<semaphore_mem>>
        %dma_start3A_300 = arith.constant 0 : i32
        %dma_start3A_301 = arith.constant 0 : i32
        %dma_start3A_302 = tpu.memref_slice %arg5[%add3A, %dma_start3A_300, %dma_start3A_301] : memref<32x640x128xf32, #tpu.memory_space<hbm>> -> memref<1x640x128xf32, #tpu.memory_space<hbm>>
        %dma_start3A_303 = tpu.memref_squeeze %dma_start3A_302 : memref<1x640x128xf32, #tpu.memory_space<hbm>> -> memref<640x128xf32, #tpu.memory_space<hbm>>
        %dma_start3A_304 = arith.constant 4480 : i32
        %dma_start3A_305 = arith.constant 0 : i32
        %dma_start3A_306 = tpu.memref_slice %arg6[%dma_start3A_304, %dma_start3A_305] : memref<10240x128xf32, #tpu.memory_space<vmem_shared>> -> memref<640x128xf32, #tpu.memory_space<vmem_shared>>
        tpu.enqueue_dma source(%dma_start3A_306 : memref<640x128xf32, #tpu.memory_space<vmem_shared>>) target(%dma_start3A_303 : memref<640x128xf32, #tpu.memory_space<hbm>>) target_semaphore(%run_scoped3A : memref<!tpu.dma_semaphore, #tpu.memory_space<semaphore_mem>>)
        %dma_wait3A_307 = arith.constant 0 : i32
        %dma_wait3A_308 = arith.constant 0 : i32
        %dma_wait3A_309 = tpu.memref_slice %arg5[%add3A, %dma_wait3A_307, %dma_wait3A_308] : memref<32x640x128xf32, #tpu.memory_space<hbm>> -> memref<1x640x128xf32, #tpu.memory_space<hbm>>
        %dma_wait3A_310 = tpu.memref_squeeze %dma_wait3A_309 : memref<1x640x128xf32, #tpu.memory_space<hbm>> -> memref<640x128xf32, #tpu.memory_space<hbm>>
        %dma_wait3A_311 = arith.constant 4480 : i32
        %dma_wait3A_312 = arith.constant 0 : i32
        %dma_wait3A_313 = tpu.memref_slice %arg6[%dma_wait3A_311, %dma_wait3A_312] : memref<10240x128xf32, #tpu.memory_space<vmem_shared>> -> memref<640x128xf32, #tpu.memory_space<vmem_shared>>
        tpu.wait_dma2 semaphore(%run_scoped3A : memref<!tpu.dma_semaphore, #tpu.memory_space<semaphore_mem>>) src(%dma_wait3A_313 : memref<640x128xf32, #tpu.memory_space<vmem_shared>>) dst(%dma_wait3A_310 : memref<640x128xf32, #tpu.memory_space<hbm>>)
        tpu.yield
      }) : () -> ()
    } else {
    }
    %eq3A_260 = arith.constant 8 : i32
    %eq3A_261 = arith.cmpi eq, %arg1, %eq3A_260 : i32
    %convert_element_type3A_262 = arith.extui %eq3A_261 : i1 to i32
    %cond3A_263 = arith.constant 0 : i32
    %cond3A_264 = arith.cmpi ne, %convert_element_type3A_262, %cond3A_263 : i32
    scf.if %cond3A_264 {
      "tpu.region"() ({
        %run_scoped3A = tpu.sem_alloc : memref<!tpu.dma_semaphore, #tpu.memory_space<semaphore_mem>>
        %dma_start3A_300 = arith.constant 0 : i32
        %dma_start3A_301 = arith.constant 0 : i32
        %dma_start3A_302 = tpu.memref_slice %arg5[%add3A, %dma_start3A_300, %dma_start3A_301] : memref<32x640x128xf32, #tpu.memory_space<hbm>> -> memref<1x640x128xf32, #tpu.memory_space<hbm>>
        %dma_start3A_303 = tpu.memref_squeeze %dma_start3A_302 : memref<1x640x128xf32, #tpu.memory_space<hbm>> -> memref<640x128xf32, #tpu.memory_space<hbm>>
        %dma_start3A_304 = arith.constant 5120 : i32
        %dma_start3A_305 = arith.constant 0 : i32
        %dma_start3A_306 = tpu.memref_slice %arg6[%dma_start3A_304, %dma_start3A_305] : memref<10240x128xf32, #tpu.memory_space<vmem_shared>> -> memref<640x128xf32, #tpu.memory_space<vmem_shared>>
        tpu.enqueue_dma source(%dma_start3A_306 : memref<640x128xf32, #tpu.memory_space<vmem_shared>>) target(%dma_start3A_303 : memref<640x128xf32, #tpu.memory_space<hbm>>) target_semaphore(%run_scoped3A : memref<!tpu.dma_semaphore, #tpu.memory_space<semaphore_mem>>)
        %dma_wait3A_307 = arith.constant 0 : i32
        %dma_wait3A_308 = arith.constant 0 : i32
        %dma_wait3A_309 = tpu.memref_slice %arg5[%add3A, %dma_wait3A_307, %dma_wait3A_308] : memref<32x640x128xf32, #tpu.memory_space<hbm>> -> memref<1x640x128xf32, #tpu.memory_space<hbm>>
        %dma_wait3A_310 = tpu.memref_squeeze %dma_wait3A_309 : memref<1x640x128xf32, #tpu.memory_space<hbm>> -> memref<640x128xf32, #tpu.memory_space<hbm>>
        %dma_wait3A_311 = arith.constant 5120 : i32
        %dma_wait3A_312 = arith.constant 0 : i32
        %dma_wait3A_313 = tpu.memref_slice %arg6[%dma_wait3A_311, %dma_wait3A_312] : memref<10240x128xf32, #tpu.memory_space<vmem_shared>> -> memref<640x128xf32, #tpu.memory_space<vmem_shared>>
        tpu.wait_dma2 semaphore(%run_scoped3A : memref<!tpu.dma_semaphore, #tpu.memory_space<semaphore_mem>>) src(%dma_wait3A_313 : memref<640x128xf32, #tpu.memory_space<vmem_shared>>) dst(%dma_wait3A_310 : memref<640x128xf32, #tpu.memory_space<hbm>>)
        tpu.yield
      }) : () -> ()
    } else {
    }
    %eq3A_265 = arith.constant 9 : i32
    %eq3A_266 = arith.cmpi eq, %arg1, %eq3A_265 : i32
    %convert_element_type3A_267 = arith.extui %eq3A_266 : i1 to i32
    %cond3A_268 = arith.constant 0 : i32
    %cond3A_269 = arith.cmpi ne, %convert_element_type3A_267, %cond3A_268 : i32
    scf.if %cond3A_269 {
      "tpu.region"() ({
        %run_scoped3A = tpu.sem_alloc : memref<!tpu.dma_semaphore, #tpu.memory_space<semaphore_mem>>
        %dma_start3A_300 = arith.constant 0 : i32
        %dma_start3A_301 = arith.constant 0 : i32
        %dma_start3A_302 = tpu.memref_slice %arg5[%add3A, %dma_start3A_300, %dma_start3A_301] : memref<32x640x128xf32, #tpu.memory_space<hbm>> -> memref<1x640x128xf32, #tpu.memory_space<hbm>>
        %dma_start3A_303 = tpu.memref_squeeze %dma_start3A_302 : memref<1x640x128xf32, #tpu.memory_space<hbm>> -> memref<640x128xf32, #tpu.memory_space<hbm>>
        %dma_start3A_304 = arith.constant 5760 : i32
        %dma_start3A_305 = arith.constant 0 : i32
        %dma_start3A_306 = tpu.memref_slice %arg6[%dma_start3A_304, %dma_start3A_305] : memref<10240x128xf32, #tpu.memory_space<vmem_shared>> -> memref<640x128xf32, #tpu.memory_space<vmem_shared>>
        tpu.enqueue_dma source(%dma_start3A_306 : memref<640x128xf32, #tpu.memory_space<vmem_shared>>) target(%dma_start3A_303 : memref<640x128xf32, #tpu.memory_space<hbm>>) target_semaphore(%run_scoped3A : memref<!tpu.dma_semaphore, #tpu.memory_space<semaphore_mem>>)
        %dma_wait3A_307 = arith.constant 0 : i32
        %dma_wait3A_308 = arith.constant 0 : i32
        %dma_wait3A_309 = tpu.memref_slice %arg5[%add3A, %dma_wait3A_307, %dma_wait3A_308] : memref<32x640x128xf32, #tpu.memory_space<hbm>> -> memref<1x640x128xf32, #tpu.memory_space<hbm>>
        %dma_wait3A_310 = tpu.memref_squeeze %dma_wait3A_309 : memref<1x640x128xf32, #tpu.memory_space<hbm>> -> memref<640x128xf32, #tpu.memory_space<hbm>>
        %dma_wait3A_311 = arith.constant 5760 : i32
        %dma_wait3A_312 = arith.constant 0 : i32
        %dma_wait3A_313 = tpu.memref_slice %arg6[%dma_wait3A_311, %dma_wait3A_312] : memref<10240x128xf32, #tpu.memory_space<vmem_shared>> -> memref<640x128xf32, #tpu.memory_space<vmem_shared>>
        tpu.wait_dma2 semaphore(%run_scoped3A : memref<!tpu.dma_semaphore, #tpu.memory_space<semaphore_mem>>) src(%dma_wait3A_313 : memref<640x128xf32, #tpu.memory_space<vmem_shared>>) dst(%dma_wait3A_310 : memref<640x128xf32, #tpu.memory_space<hbm>>)
        tpu.yield
      }) : () -> ()
    } else {
    }
    %eq3A_270 = arith.constant 10 : i32
    %eq3A_271 = arith.cmpi eq, %arg1, %eq3A_270 : i32
    %convert_element_type3A_272 = arith.extui %eq3A_271 : i1 to i32
    %cond3A_273 = arith.constant 0 : i32
    %cond3A_274 = arith.cmpi ne, %convert_element_type3A_272, %cond3A_273 : i32
    scf.if %cond3A_274 {
      "tpu.region"() ({
        %run_scoped3A = tpu.sem_alloc : memref<!tpu.dma_semaphore, #tpu.memory_space<semaphore_mem>>
        %dma_start3A_300 = arith.constant 0 : i32
        %dma_start3A_301 = arith.constant 0 : i32
        %dma_start3A_302 = tpu.memref_slice %arg5[%add3A, %dma_start3A_300, %dma_start3A_301] : memref<32x640x128xf32, #tpu.memory_space<hbm>> -> memref<1x640x128xf32, #tpu.memory_space<hbm>>
        %dma_start3A_303 = tpu.memref_squeeze %dma_start3A_302 : memref<1x640x128xf32, #tpu.memory_space<hbm>> -> memref<640x128xf32, #tpu.memory_space<hbm>>
        %dma_start3A_304 = arith.constant 6400 : i32
        %dma_start3A_305 = arith.constant 0 : i32
        %dma_start3A_306 = tpu.memref_slice %arg6[%dma_start3A_304, %dma_start3A_305] : memref<10240x128xf32, #tpu.memory_space<vmem_shared>> -> memref<640x128xf32, #tpu.memory_space<vmem_shared>>
        tpu.enqueue_dma source(%dma_start3A_306 : memref<640x128xf32, #tpu.memory_space<vmem_shared>>) target(%dma_start3A_303 : memref<640x128xf32, #tpu.memory_space<hbm>>) target_semaphore(%run_scoped3A : memref<!tpu.dma_semaphore, #tpu.memory_space<semaphore_mem>>)
        %dma_wait3A_307 = arith.constant 0 : i32
        %dma_wait3A_308 = arith.constant 0 : i32
        %dma_wait3A_309 = tpu.memref_slice %arg5[%add3A, %dma_wait3A_307, %dma_wait3A_308] : memref<32x640x128xf32, #tpu.memory_space<hbm>> -> memref<1x640x128xf32, #tpu.memory_space<hbm>>
        %dma_wait3A_310 = tpu.memref_squeeze %dma_wait3A_309 : memref<1x640x128xf32, #tpu.memory_space<hbm>> -> memref<640x128xf32, #tpu.memory_space<hbm>>
        %dma_wait3A_311 = arith.constant 6400 : i32
        %dma_wait3A_312 = arith.constant 0 : i32
        %dma_wait3A_313 = tpu.memref_slice %arg6[%dma_wait3A_311, %dma_wait3A_312] : memref<10240x128xf32, #tpu.memory_space<vmem_shared>> -> memref<640x128xf32, #tpu.memory_space<vmem_shared>>
        tpu.wait_dma2 semaphore(%run_scoped3A : memref<!tpu.dma_semaphore, #tpu.memory_space<semaphore_mem>>) src(%dma_wait3A_313 : memref<640x128xf32, #tpu.memory_space<vmem_shared>>) dst(%dma_wait3A_310 : memref<640x128xf32, #tpu.memory_space<hbm>>)
        tpu.yield
      }) : () -> ()
    } else {
    }
    %eq3A_275 = arith.constant 11 : i32
    %eq3A_276 = arith.cmpi eq, %arg1, %eq3A_275 : i32
    %convert_element_type3A_277 = arith.extui %eq3A_276 : i1 to i32
    %cond3A_278 = arith.constant 0 : i32
    %cond3A_279 = arith.cmpi ne, %convert_element_type3A_277, %cond3A_278 : i32
    scf.if %cond3A_279 {
      "tpu.region"() ({
        %run_scoped3A = tpu.sem_alloc : memref<!tpu.dma_semaphore, #tpu.memory_space<semaphore_mem>>
        %dma_start3A_300 = arith.constant 0 : i32
        %dma_start3A_301 = arith.constant 0 : i32
        %dma_start3A_302 = tpu.memref_slice %arg5[%add3A, %dma_start3A_300, %dma_start3A_301] : memref<32x640x128xf32, #tpu.memory_space<hbm>> -> memref<1x640x128xf32, #tpu.memory_space<hbm>>
        %dma_start3A_303 = tpu.memref_squeeze %dma_start3A_302 : memref<1x640x128xf32, #tpu.memory_space<hbm>> -> memref<640x128xf32, #tpu.memory_space<hbm>>
        %dma_start3A_304 = arith.constant 7040 : i32
        %dma_start3A_305 = arith.constant 0 : i32
        %dma_start3A_306 = tpu.memref_slice %arg6[%dma_start3A_304, %dma_start3A_305] : memref<10240x128xf32, #tpu.memory_space<vmem_shared>> -> memref<640x128xf32, #tpu.memory_space<vmem_shared>>
        tpu.enqueue_dma source(%dma_start3A_306 : memref<640x128xf32, #tpu.memory_space<vmem_shared>>) target(%dma_start3A_303 : memref<640x128xf32, #tpu.memory_space<hbm>>) target_semaphore(%run_scoped3A : memref<!tpu.dma_semaphore, #tpu.memory_space<semaphore_mem>>)
        %dma_wait3A_307 = arith.constant 0 : i32
        %dma_wait3A_308 = arith.constant 0 : i32
        %dma_wait3A_309 = tpu.memref_slice %arg5[%add3A, %dma_wait3A_307, %dma_wait3A_308] : memref<32x640x128xf32, #tpu.memory_space<hbm>> -> memref<1x640x128xf32, #tpu.memory_space<hbm>>
        %dma_wait3A_310 = tpu.memref_squeeze %dma_wait3A_309 : memref<1x640x128xf32, #tpu.memory_space<hbm>> -> memref<640x128xf32, #tpu.memory_space<hbm>>
        %dma_wait3A_311 = arith.constant 7040 : i32
        %dma_wait3A_312 = arith.constant 0 : i32
        %dma_wait3A_313 = tpu.memref_slice %arg6[%dma_wait3A_311, %dma_wait3A_312] : memref<10240x128xf32, #tpu.memory_space<vmem_shared>> -> memref<640x128xf32, #tpu.memory_space<vmem_shared>>
        tpu.wait_dma2 semaphore(%run_scoped3A : memref<!tpu.dma_semaphore, #tpu.memory_space<semaphore_mem>>) src(%dma_wait3A_313 : memref<640x128xf32, #tpu.memory_space<vmem_shared>>) dst(%dma_wait3A_310 : memref<640x128xf32, #tpu.memory_space<hbm>>)
        tpu.yield
      }) : () -> ()
    } else {
    }
    %eq3A_280 = arith.constant 12 : i32
    %eq3A_281 = arith.cmpi eq, %arg1, %eq3A_280 : i32
    %convert_element_type3A_282 = arith.extui %eq3A_281 : i1 to i32
    %cond3A_283 = arith.constant 0 : i32
    %cond3A_284 = arith.cmpi ne, %convert_element_type3A_282, %cond3A_283 : i32
    scf.if %cond3A_284 {
      "tpu.region"() ({
        %run_scoped3A = tpu.sem_alloc : memref<!tpu.dma_semaphore, #tpu.memory_space<semaphore_mem>>
        %dma_start3A_300 = arith.constant 0 : i32
        %dma_start3A_301 = arith.constant 0 : i32
        %dma_start3A_302 = tpu.memref_slice %arg5[%add3A, %dma_start3A_300, %dma_start3A_301] : memref<32x640x128xf32, #tpu.memory_space<hbm>> -> memref<1x640x128xf32, #tpu.memory_space<hbm>>
        %dma_start3A_303 = tpu.memref_squeeze %dma_start3A_302 : memref<1x640x128xf32, #tpu.memory_space<hbm>> -> memref<640x128xf32, #tpu.memory_space<hbm>>
        %dma_start3A_304 = arith.constant 7680 : i32
        %dma_start3A_305 = arith.constant 0 : i32
        %dma_start3A_306 = tpu.memref_slice %arg6[%dma_start3A_304, %dma_start3A_305] : memref<10240x128xf32, #tpu.memory_space<vmem_shared>> -> memref<640x128xf32, #tpu.memory_space<vmem_shared>>
        tpu.enqueue_dma source(%dma_start3A_306 : memref<640x128xf32, #tpu.memory_space<vmem_shared>>) target(%dma_start3A_303 : memref<640x128xf32, #tpu.memory_space<hbm>>) target_semaphore(%run_scoped3A : memref<!tpu.dma_semaphore, #tpu.memory_space<semaphore_mem>>)
        %dma_wait3A_307 = arith.constant 0 : i32
        %dma_wait3A_308 = arith.constant 0 : i32
        %dma_wait3A_309 = tpu.memref_slice %arg5[%add3A, %dma_wait3A_307, %dma_wait3A_308] : memref<32x640x128xf32, #tpu.memory_space<hbm>> -> memref<1x640x128xf32, #tpu.memory_space<hbm>>
        %dma_wait3A_310 = tpu.memref_squeeze %dma_wait3A_309 : memref<1x640x128xf32, #tpu.memory_space<hbm>> -> memref<640x128xf32, #tpu.memory_space<hbm>>
        %dma_wait3A_311 = arith.constant 7680 : i32
        %dma_wait3A_312 = arith.constant 0 : i32
        %dma_wait3A_313 = tpu.memref_slice %arg6[%dma_wait3A_311, %dma_wait3A_312] : memref<10240x128xf32, #tpu.memory_space<vmem_shared>> -> memref<640x128xf32, #tpu.memory_space<vmem_shared>>
        tpu.wait_dma2 semaphore(%run_scoped3A : memref<!tpu.dma_semaphore, #tpu.memory_space<semaphore_mem>>) src(%dma_wait3A_313 : memref<640x128xf32, #tpu.memory_space<vmem_shared>>) dst(%dma_wait3A_310 : memref<640x128xf32, #tpu.memory_space<hbm>>)
        tpu.yield
      }) : () -> ()
    } else {
    }
    %eq3A_285 = arith.constant 13 : i32
    %eq3A_286 = arith.cmpi eq, %arg1, %eq3A_285 : i32
    %convert_element_type3A_287 = arith.extui %eq3A_286 : i1 to i32
    %cond3A_288 = arith.constant 0 : i32
    %cond3A_289 = arith.cmpi ne, %convert_element_type3A_287, %cond3A_288 : i32
    scf.if %cond3A_289 {
      "tpu.region"() ({
        %run_scoped3A = tpu.sem_alloc : memref<!tpu.dma_semaphore, #tpu.memory_space<semaphore_mem>>
        %dma_start3A_300 = arith.constant 0 : i32
        %dma_start3A_301 = arith.constant 0 : i32
        %dma_start3A_302 = tpu.memref_slice %arg5[%add3A, %dma_start3A_300, %dma_start3A_301] : memref<32x640x128xf32, #tpu.memory_space<hbm>> -> memref<1x640x128xf32, #tpu.memory_space<hbm>>
        %dma_start3A_303 = tpu.memref_squeeze %dma_start3A_302 : memref<1x640x128xf32, #tpu.memory_space<hbm>> -> memref<640x128xf32, #tpu.memory_space<hbm>>
        %dma_start3A_304 = arith.constant 8320 : i32
        %dma_start3A_305 = arith.constant 0 : i32
        %dma_start3A_306 = tpu.memref_slice %arg6[%dma_start3A_304, %dma_start3A_305] : memref<10240x128xf32, #tpu.memory_space<vmem_shared>> -> memref<640x128xf32, #tpu.memory_space<vmem_shared>>
        tpu.enqueue_dma source(%dma_start3A_306 : memref<640x128xf32, #tpu.memory_space<vmem_shared>>) target(%dma_start3A_303 : memref<640x128xf32, #tpu.memory_space<hbm>>) target_semaphore(%run_scoped3A : memref<!tpu.dma_semaphore, #tpu.memory_space<semaphore_mem>>)
        %dma_wait3A_307 = arith.constant 0 : i32
        %dma_wait3A_308 = arith.constant 0 : i32
        %dma_wait3A_309 = tpu.memref_slice %arg5[%add3A, %dma_wait3A_307, %dma_wait3A_308] : memref<32x640x128xf32, #tpu.memory_space<hbm>> -> memref<1x640x128xf32, #tpu.memory_space<hbm>>
        %dma_wait3A_310 = tpu.memref_squeeze %dma_wait3A_309 : memref<1x640x128xf32, #tpu.memory_space<hbm>> -> memref<640x128xf32, #tpu.memory_space<hbm>>
        %dma_wait3A_311 = arith.constant 8320 : i32
        %dma_wait3A_312 = arith.constant 0 : i32
        %dma_wait3A_313 = tpu.memref_slice %arg6[%dma_wait3A_311, %dma_wait3A_312] : memref<10240x128xf32, #tpu.memory_space<vmem_shared>> -> memref<640x128xf32, #tpu.memory_space<vmem_shared>>
        tpu.wait_dma2 semaphore(%run_scoped3A : memref<!tpu.dma_semaphore, #tpu.memory_space<semaphore_mem>>) src(%dma_wait3A_313 : memref<640x128xf32, #tpu.memory_space<vmem_shared>>) dst(%dma_wait3A_310 : memref<640x128xf32, #tpu.memory_space<hbm>>)
        tpu.yield
      }) : () -> ()
    } else {
    }
    %eq3A_290 = arith.constant 14 : i32
    %eq3A_291 = arith.cmpi eq, %arg1, %eq3A_290 : i32
    %convert_element_type3A_292 = arith.extui %eq3A_291 : i1 to i32
    %cond3A_293 = arith.constant 0 : i32
    %cond3A_294 = arith.cmpi ne, %convert_element_type3A_292, %cond3A_293 : i32
    scf.if %cond3A_294 {
      "tpu.region"() ({
        %run_scoped3A = tpu.sem_alloc : memref<!tpu.dma_semaphore, #tpu.memory_space<semaphore_mem>>
        %dma_start3A_300 = arith.constant 0 : i32
        %dma_start3A_301 = arith.constant 0 : i32
        %dma_start3A_302 = tpu.memref_slice %arg5[%add3A, %dma_start3A_300, %dma_start3A_301] : memref<32x640x128xf32, #tpu.memory_space<hbm>> -> memref<1x640x128xf32, #tpu.memory_space<hbm>>
        %dma_start3A_303 = tpu.memref_squeeze %dma_start3A_302 : memref<1x640x128xf32, #tpu.memory_space<hbm>> -> memref<640x128xf32, #tpu.memory_space<hbm>>
        %dma_start3A_304 = arith.constant 8960 : i32
        %dma_start3A_305 = arith.constant 0 : i32
        %dma_start3A_306 = tpu.memref_slice %arg6[%dma_start3A_304, %dma_start3A_305] : memref<10240x128xf32, #tpu.memory_space<vmem_shared>> -> memref<640x128xf32, #tpu.memory_space<vmem_shared>>
        tpu.enqueue_dma source(%dma_start3A_306 : memref<640x128xf32, #tpu.memory_space<vmem_shared>>) target(%dma_start3A_303 : memref<640x128xf32, #tpu.memory_space<hbm>>) target_semaphore(%run_scoped3A : memref<!tpu.dma_semaphore, #tpu.memory_space<semaphore_mem>>)
        %dma_wait3A_307 = arith.constant 0 : i32
        %dma_wait3A_308 = arith.constant 0 : i32
        %dma_wait3A_309 = tpu.memref_slice %arg5[%add3A, %dma_wait3A_307, %dma_wait3A_308] : memref<32x640x128xf32, #tpu.memory_space<hbm>> -> memref<1x640x128xf32, #tpu.memory_space<hbm>>
        %dma_wait3A_310 = tpu.memref_squeeze %dma_wait3A_309 : memref<1x640x128xf32, #tpu.memory_space<hbm>> -> memref<640x128xf32, #tpu.memory_space<hbm>>
        %dma_wait3A_311 = arith.constant 8960 : i32
        %dma_wait3A_312 = arith.constant 0 : i32
        %dma_wait3A_313 = tpu.memref_slice %arg6[%dma_wait3A_311, %dma_wait3A_312] : memref<10240x128xf32, #tpu.memory_space<vmem_shared>> -> memref<640x128xf32, #tpu.memory_space<vmem_shared>>
        tpu.wait_dma2 semaphore(%run_scoped3A : memref<!tpu.dma_semaphore, #tpu.memory_space<semaphore_mem>>) src(%dma_wait3A_313 : memref<640x128xf32, #tpu.memory_space<vmem_shared>>) dst(%dma_wait3A_310 : memref<640x128xf32, #tpu.memory_space<hbm>>)
        tpu.yield
      }) : () -> ()
    } else {
    }
    %eq3A_295 = arith.constant 15 : i32
    %eq3A_296 = arith.cmpi eq, %arg1, %eq3A_295 : i32
    %convert_element_type3A_297 = arith.extui %eq3A_296 : i1 to i32
    %cond3A_298 = arith.constant 0 : i32
    %cond3A_299 = arith.cmpi ne, %convert_element_type3A_297, %cond3A_298 : i32
    scf.if %cond3A_299 {
      "tpu.region"() ({
        %run_scoped3A = tpu.sem_alloc : memref<!tpu.dma_semaphore, #tpu.memory_space<semaphore_mem>>
        %dma_start3A_300 = arith.constant 0 : i32
        %dma_start3A_301 = arith.constant 0 : i32
        %dma_start3A_302 = tpu.memref_slice %arg5[%add3A, %dma_start3A_300, %dma_start3A_301] : memref<32x640x128xf32, #tpu.memory_space<hbm>> -> memref<1x640x128xf32, #tpu.memory_space<hbm>>
        %dma_start3A_303 = tpu.memref_squeeze %dma_start3A_302 : memref<1x640x128xf32, #tpu.memory_space<hbm>> -> memref<640x128xf32, #tpu.memory_space<hbm>>
        %dma_start3A_304 = arith.constant 9600 : i32
        %dma_start3A_305 = arith.constant 0 : i32
        %dma_start3A_306 = tpu.memref_slice %arg6[%dma_start3A_304, %dma_start3A_305] : memref<10240x128xf32, #tpu.memory_space<vmem_shared>> -> memref<640x128xf32, #tpu.memory_space<vmem_shared>>
        tpu.enqueue_dma source(%dma_start3A_306 : memref<640x128xf32, #tpu.memory_space<vmem_shared>>) target(%dma_start3A_303 : memref<640x128xf32, #tpu.memory_space<hbm>>) target_semaphore(%run_scoped3A : memref<!tpu.dma_semaphore, #tpu.memory_space<semaphore_mem>>)
        %dma_wait3A_307 = arith.constant 0 : i32
        %dma_wait3A_308 = arith.constant 0 : i32
        %dma_wait3A_309 = tpu.memref_slice %arg5[%add3A, %dma_wait3A_307, %dma_wait3A_308] : memref<32x640x128xf32, #tpu.memory_space<hbm>> -> memref<1x640x128xf32, #tpu.memory_space<hbm>>
        %dma_wait3A_310 = tpu.memref_squeeze %dma_wait3A_309 : memref<1x640x128xf32, #tpu.memory_space<hbm>> -> memref<640x128xf32, #tpu.memory_space<hbm>>
        %dma_wait3A_311 = arith.constant 9600 : i32
        %dma_wait3A_312 = arith.constant 0 : i32
        %dma_wait3A_313 = tpu.memref_slice %arg6[%dma_wait3A_311, %dma_wait3A_312] : memref<10240x128xf32, #tpu.memory_space<vmem_shared>> -> memref<640x128xf32, #tpu.memory_space<vmem_shared>>
        tpu.wait_dma2 semaphore(%run_scoped3A : memref<!tpu.dma_semaphore, #tpu.memory_space<semaphore_mem>>) src(%dma_wait3A_313 : memref<640x128xf32, #tpu.memory_space<vmem_shared>>) dst(%dma_wait3A_310 : memref<640x128xf32, #tpu.memory_space<hbm>>)
        tpu.yield
      }) : () -> ()
    } else {
    }
    return
  }
}

module attributes {stable_mosaic.version = 14 : i64} {
  func.func @body(%arg0: i32, %arg1: memref<2000x128xf32, #tpu.memory_space<vmem>>, %arg2: memref<2x2000x128xf32, #tpu.memory_space<vmem>>, %arg3: memref<128x128xf32, #tpu.memory_space<vmem>>, %arg4: memref<1x128xf32, #tpu.memory_space<vmem>>, %arg5: memref<1x128xf32, #tpu.memory_space<vmem>>, %arg6: memref<1x128xf32, #tpu.memory_space<vmem>>, %arg7: memref<2000x128xf32, #tpu.memory_space<vmem>>) attributes {dimension_semantics = [#tpu.dimension_semantics<arbitrary>], iteration_bounds = array<i64: 5>, scalar_prefetch = 0 : i64, scratch_operands = 0 : i64, tpu.core_type = #tpu.core_type<tc>, window_params = [{transform_indices = @transform_0, window_bounds = array<i64: 2000, 128>}, {transform_indices = @transform_1, window_bounds = array<i64: 2, 2000, 128>}, {pipeline_mode = #tpu.pipeline_mode<synchronous>, transform_indices = @transform_2, window_bounds = array<i64: 128, 128>}, {pipeline_mode = #tpu.pipeline_mode<synchronous>, transform_indices = @transform_3, window_bounds = array<i64: 1, 128>}, {pipeline_mode = #tpu.pipeline_mode<synchronous>, transform_indices = @transform_4, window_bounds = array<i64: 1, 128>}, {pipeline_mode = #tpu.pipeline_mode<synchronous>, transform_indices = @transform_5, window_bounds = array<i64: 1, 128>}, {transform_indices = @transform_6, window_bounds = array<i64: 2000, 128>}]} {
    %get3A = arith.constant 0 : index
    %get3A_0 = arith.constant 0 : index
    %get3A_1 = vector.load %arg1[%get3A, %get3A_0] : memref<2000x128xf32, #tpu.memory_space<vmem>>, vector<2000x128xf32>
    %get3A_2 = arith.constant 0 : index
    %get3A_3 = arith.constant 0 : index
    %get3A_4 = arith.constant 0 : index
    %get3A_5 = vector.load %arg2[%get3A_2, %get3A_3, %get3A_4] : memref<2x2000x128xf32, #tpu.memory_space<vmem>>, vector<1x2000x128xf32>
    %get3A_6 = vector.shape_cast %get3A_5 : vector<1x2000x128xf32> to vector<2000x128xf32>
    %add3A = arith.addf %get3A_1, %get3A_6 : vector<2000x128xf32>
    %get3A_7 = arith.constant 1 : index
    %get3A_8 = arith.constant 0 : index
    %get3A_9 = arith.constant 0 : index
    %get3A_10 = vector.load %arg2[%get3A_7, %get3A_8, %get3A_9] : memref<2x2000x128xf32, #tpu.memory_space<vmem>>, vector<1x2000x128xf32>
    %get3A_11 = vector.shape_cast %get3A_10 : vector<1x2000x128xf32> to vector<2000x128xf32>
    %add3A_12 = arith.addf %add3A, %get3A_11 : vector<2000x128xf32>
    %get3A_13 = arith.constant 0 : index
    %get3A_14 = arith.constant 0 : index
    %get3A_15 = vector.load %arg3[%get3A_13, %get3A_14] : memref<128x128xf32, #tpu.memory_space<vmem>>, vector<128x128xf32>
    %dot_general3A = arith.constant dense<0.000000e+00> : vector<2000x128xf32>
    %dot_general3A_16 = tpu.matmul %add3A_12, %get3A_15, %dot_general3A {dimension_numbers = #tpu.dot_dimension_numbers<[1], [1], [0], [0], [0, 0, 1, 0], [], []>, transpose_lhs_hint = false} : vector<2000x128xf32>, vector<128x128xf32>, vector<2000x128xf32> -> vector<2000x128xf32>
    %get3A_17 = arith.constant 0 : index
    %get3A_18 = arith.constant 0 : index
    %get3A_19 = vector.load %arg4[%get3A_17, %get3A_18] : memref<1x128xf32, #tpu.memory_space<vmem>>, vector<1x128xf32>
    %add3A_20 = vector.broadcast %get3A_19 : vector<1x128xf32> to vector<2000x128xf32>
    %add3A_21 = arith.addf %dot_general3A_16, %add3A_20 : vector<2000x128xf32>
    %reduce_sum3A = arith.constant dense<0.000000e+00> : vector<2000xf32>
    %reduce_sum3A_22 = vector.multi_reduction <add>, %add3A_21, %reduce_sum3A [1] : vector<2000x128xf32> to vector<2000xf32>
    %broadcast_in_dim3A = vector.shape_cast %reduce_sum3A_22 : vector<2000xf32> to vector<2000x1xf32>
    %div3A = arith.constant 1.280000e+02 : f32
    %div3A_23 = vector.broadcast %div3A : f32 to vector<2000x1xf32>
    %div3A_24 = arith.divf %broadcast_in_dim3A, %div3A_23 : vector<2000x1xf32>
    %sub3A = vector.broadcast %div3A_24 : vector<2000x1xf32> to vector<2000x128xf32>
    %sub3A_25 = arith.subf %add3A_21, %sub3A : vector<2000x128xf32>
    %integer_pow3A = arith.mulf %sub3A_25, %sub3A_25 : vector<2000x128xf32>
    %reduce_sum3A_26 = arith.constant dense<0.000000e+00> : vector<2000xf32>
    %reduce_sum3A_27 = vector.multi_reduction <add>, %integer_pow3A, %reduce_sum3A_26 [1] : vector<2000x128xf32> to vector<2000xf32>
    %broadcast_in_dim3A_28 = vector.shape_cast %reduce_sum3A_27 : vector<2000xf32> to vector<2000x1xf32>
    %div3A_29 = arith.constant 1.280000e+02 : f32
    %div3A_30 = vector.broadcast %div3A_29 : f32 to vector<2000x1xf32>
    %div3A_31 = arith.divf %broadcast_in_dim3A_28, %div3A_30 : vector<2000x1xf32>
    %sub3A_32 = vector.broadcast %div3A_24 : vector<2000x1xf32> to vector<2000x128xf32>
    %sub3A_33 = arith.subf %add3A_21, %sub3A_32 : vector<2000x128xf32>
    %add3A_34 = arith.constant 9.99999974E-6 : f32
    %add3A_35 = vector.broadcast %add3A_34 : f32 to vector<2000x1xf32>
    %add3A_36 = arith.addf %div3A_31, %add3A_35 : vector<2000x1xf32>
    %rsqrt3A = math.rsqrt %add3A_36 : vector<2000x1xf32>
    %mul3A = vector.broadcast %rsqrt3A : vector<2000x1xf32> to vector<2000x128xf32>
    %mul3A_37 = arith.mulf %sub3A_33, %mul3A : vector<2000x128xf32>
    %get3A_38 = arith.constant 0 : index
    %get3A_39 = arith.constant 0 : index
    %get3A_40 = vector.load %arg5[%get3A_38, %get3A_39] : memref<1x128xf32, #tpu.memory_space<vmem>>, vector<1x128xf32>
    %mul3A_41 = vector.broadcast %get3A_40 : vector<1x128xf32> to vector<2000x128xf32>
    %mul3A_42 = arith.mulf %mul3A_37, %mul3A_41 : vector<2000x128xf32>
    %get3A_43 = arith.constant 0 : index
    %get3A_44 = arith.constant 0 : index
    %get3A_45 = vector.load %arg6[%get3A_43, %get3A_44] : memref<1x128xf32, #tpu.memory_space<vmem>>, vector<1x128xf32>
    %add3A_46 = vector.broadcast %get3A_45 : vector<1x128xf32> to vector<2000x128xf32>
    %add3A_47 = arith.addf %mul3A_42, %add3A_46 : vector<2000x128xf32>
    %swap3A = arith.constant 0 : index
    %swap3A_48 = arith.constant 0 : index
    %swap3A_49 = vector.load %arg7[%swap3A, %swap3A_48] : memref<2000x128xf32, #tpu.memory_space<vmem>>, vector<2000x128xf32>
    tpu.vector_store %arg7[%swap3A, %swap3A_48], %add3A_47 {strides = array<i32>} : memref<2000x128xf32, #tpu.memory_space<vmem>>, vector<2000x128xf32>,
    return
  }
  func.func @transform_0(%arg0: i32) -> (i32, i32) {
    %c0_i32 = arith.constant 0 : i32
    %c0_i32_0 = arith.constant 0 : i32
    return %arg0, %c0_i32 : i32, i32
  }
  func.func @transform_1(%arg0: i32) -> (i32, i32, i32) {
    %c0_i32 = arith.constant 0 : i32
    %c0_i32_0 = arith.constant 0 : i32
    %c0_i32_1 = arith.constant 0 : i32
    return %c0_i32, %arg0, %c0_i32_0 : i32, i32, i32
  }
  func.func @transform_2(%arg0: i32) -> (i32, i32) {
    %c0_i32 = arith.constant 0 : i32
    %c0_i32_0 = arith.constant 0 : i32
    %c0_i32_1 = arith.constant 0 : i32
    return %c0_i32, %c0_i32_0 : i32, i32
  }
  func.func @transform_3(%arg0: i32) -> (i32, i32) {
    %c0_i32 = arith.constant 0 : i32
    %c0_i32_0 = arith.constant 0 : i32
    %c0_i32_1 = arith.constant 0 : i32
    return %c0_i32, %c0_i32_0 : i32, i32
  }
  func.func @transform_4(%arg0: i32) -> (i32, i32) {
    %c0_i32 = arith.constant 0 : i32
    %c0_i32_0 = arith.constant 0 : i32
    %c0_i32_1 = arith.constant 0 : i32
    return %c0_i32, %c0_i32_0 : i32, i32
  }
  func.func @transform_5(%arg0: i32) -> (i32, i32) {
    %c0_i32 = arith.constant 0 : i32
    %c0_i32_0 = arith.constant 0 : i32
    %c0_i32_1 = arith.constant 0 : i32
    return %c0_i32, %c0_i32_0 : i32, i32
  }
  func.func @transform_6(%arg0: i32) -> (i32, i32) {
    %c0_i32 = arith.constant 0 : i32
    %c0_i32_0 = arith.constant 0 : i32
    return %arg0, %c0_i32 : i32, i32
  }
}

</mosaic_0001>

<sc_bundles>
// kernel: kernel.4.cloned.1.call-start
scs
__scs_entry_jumppad:
0x0: {  	(pc) =	sbr.rel $0x88, $3  }
0x1: {  	(tag) =	ssettag $0x0;
	lr =	simm.s32 $0x1  }
0x2: {  	[smem:$0x3F9B] =	sst lr;
	_ =	strace $0xD0000000  }
0x3: {  	_ = 	snop  }
0x4: {  	_ = 	snop  }
0x5: {  	_ = 	snop  }
0x6: {  	_ = 	snop  }
0x7: {  	_ = 	snop  }
__scs_overlays_trampoline_lowered:
0x8: {  	[smem:$0x3FAA] =	sst s0  }
0x9: {  	[smem:$0x3FAB] =	sst s1  }
0xa: {  	[smem:$0x3FAC] =	sst s2  }
0xb: {  	[smem:$0x3FAD] =	sst s3  }
0xc: {  	[smem:$0x3FAE] =	sst s4  }
0xd: {  	[smem:$0x3FAF] =	sst s5  }
0xe: {  	[smem:$0x3FB0] =	sst s6  }
0xf: {  	[smem:$0x3FB1] =	sst s7  }
0x10: {  	[smem:$0x3FB2] =	sst s8  }
0x11: {  	[smem:$0x3FB3] =	sst s9;
	s0 =	simm.s32 @!p0 $0x0  }
0x12: {  	s1 =	sld [smem:$0x3F99];
	s0 =	simm.s32 @p0 $0x1  }
0x13: {  	[smem:$0x3FB4] =	sst s0;
	s0 =	simm.s32 @!p1 $0x0  }
0x14: {  	s2 =	sld [smem:$0x3F98];
	s0 =	simm.s32 @p1 $0x1  }
0x15: {  	[smem:$0x3FB5] =	sst s0;
	s0 =	simm.s32 @!p2 $0x0  }
0x16: {  	s3 =	sld [smem:$0x3FDB];
	s0 =	simm.s32 @p2 $0x1  }
0x17: {  	s4 =	simm.s32 $0x1BF5;
	[smem:$0x3FB7] =	sst s0  }
0x18: {  	s0 =	sld [smem:$0x3F9A];
	_ =	swait.ge [sflag:s4], $0x0  }
0x19: {  	s7 =	sld [smem:$0x3F9B]  }
0x1a: {  	s8 =	sadd.s32 $0xFFFFE003, lr  }
0x1b: {  	s9 =	sadd.s32 $0xFFFFFEF7, lr;
	s5 =	simm.s32 $0xFFFFFFFF;
	p2 =	slt.u32 s8, $0xFFFFF086  }
0x1c: {  	p1 =	slt.u32 s9, $0xF7A;
	s5 =	simm.s32 @!p2 $0x0  }
0x1d: {  	s5 =	simm.s32 @p1 $0x1;
	p0 =	seq.s32 s7, s2  }
0x1e: {  	s7 =	smul.u32 @!p0 $0xF7A, s2;
	p2 =	seq.s32 @!p0 s5, $0x0  }
0x1f: {  	s9 =	smul.u32 $0xF7A, s1;
	s8 =	simm.s32 @!p0 $0x1BF5;
	p2 =	por !p2, p0  }
0x20: {  	[sflag:s8] =	ssyncset.s32 @!p0 $0xFFFFF086;
	s6 =	sadd.s32 @!p0 s3, s7;
	s7 =	simm.s32 @!p0 $0x108  }
0x21: {  	s3 =	sadd.s32 s3, s9;
	s6 =	sadd.s32 @!p0 $0x88, s6;
	s7 =	simm.s32 @p2 $0x1082  }
0x22: {  	[simem:s7], [sflag:s8] =	dma.local @!p0 [hbm:s6], $0xF7A  }
0x23: {  	s9 =	sor.u32 $0xD0000000, s2;
	s6 =	simm.s32 $0x108;
	_ =	swait.ge @!p0 [sflag:s8], $0x0  }
0x24: {  	s3 =	sadd.s32 $0x88, s3;
	s6 =	simm.s32 @!p1 $0x1082;
	[sflag:s4] =	ssyncset.s32 $0xFFFFF086  }
0x25: {  	[simem:s6], [sflag:s4] =	dma.local [hbm:s3], $0xF7A  }
0x26: {  	[smem:$0x3F9B] =	sst s1;
	(tag) =	ssettag s2;
	_ =	strace s9  }
0x27: {  	s1 =	sld [smem:$0x3FAB]  }
0x28: {  	s2 =	sld [smem:$0x3FAC]  }
0x29: {  	s4 =	sld [smem:$0x3FAE]  }
0x2a: {  	p0 =	seq.s32 s5, $0x0;
	s5 =	sld [smem:$0x3FAF]  }
0x2b: {  	s6 =	sld [smem:$0x3FB0]  }
0x2c: {  	s7 =	sld [smem:$0x3FB1]  }
0x2d: {  	s3 =	simm.s32 $0x108;
	s8 =	sld [smem:$0x3FB2]  }
0x2e: {  	s3 =	simm.s32 @!p0 $0x1082;
	s9 =	sld [smem:$0x3FB3]  }
0x2f: {  	lr =	sadd.s32 s0, s3;
	s0 =	sld [smem:$0x3FAA]  }
0x30: {  	s3 =	sld [smem:$0x3FAD]  }
0x31: {  	[smem:$0x3FB6] =	sst s10  }
0x32: {  	s10 =	sld [smem:$0x3FB4];
	_ =	sdelay $0x3  }
0x33: {  	p0 =	seq.s32 s10, $0x1;
	s10 =	sld [smem:$0x3FB6];
	_ =	sdelay $0x3  }
0x34: {  	[smem:$0x3FB6] =	sst s10  }
0x35: {  	s10 =	sld [smem:$0x3FB5];
	_ =	sdelay $0x3  }
0x36: {  	p1 =	seq.s32 s10, $0x1;
	s10 =	sld [smem:$0x3FB6];
	_ =	sdelay $0x3  }
0x37: {  	[smem:$0x3FB6] =	sst s10  }
0x38: {  	s10 =	sld [smem:$0x3FB7]  }
0x39: {  	_ = 	snop;
	(pc) =	sbr.ind lr, $3  }
0x3a: {  	_ = 	snop  }
0x3b: {  	_ = 	snop  }
0x3c: {  	p2 =	seq.s32 s10, $0x1;
	s10 =	sld [smem:$0x3FB6]  }
0x3d: {  	_ =	shalt  }
0x3e: {  	_ =	shalt  }
0x3f: {  	_ =	shalt  }
0x40: {  	_ =	shalt  }
0x41: {  	_ =	shalt  }
0x42: {  	_ =	shalt  }
0x43: {  	_ =	shalt  }
0x44: {  	_ =	shalt  }
0x45: {  	_ =	shalt  }
0x46: {  	_ =	shalt  }
0x47: {  	_ =	shalt  }
0x48: {  	_ =	shalt  }
0x49: {  	_ =	shalt  }
0x4a: {  	_ =	shalt  }
0x4b: {  	_ =	shalt  }
0x4c: {  	_ =	shalt  }
0x4d: {  	_ =	shalt  }
0x4e: {  	_ =	shalt  }
0x4f: {  	_ =	shalt  }
0x50: {  	_ =	shalt  }
0x51: {  	_ =	shalt  }
0x52: {  	_ =	shalt  }
0x53: {  	_ =	shalt  }
0x54: {  	_ =	shalt  }
0x55: {  	_ =	shalt  }
0x56: {  	_ =	shalt  }
0x57: {  	_ =	shalt  }
0x58: {  	_ =	shalt  }
0x59: {  	_ =	shalt  }
0x5a: {  	_ =	shalt  }
0x5b: {  	_ =	shalt  }
0x5c: {  	_ =	shalt  }
0x5d: {  	_ =	shalt  }
0x5e: {  	_ =	shalt  }
0x5f: {  	_ =	shalt  }
0x60: {  	_ =	shalt  }
0x61: {  	_ =	shalt  }
0x62: {  	_ =	shalt  }
0x63: {  	_ =	shalt  }
0x64: {  	_ =	shalt  }
0x65: {  	_ =	shalt  }
0x66: {  	_ =	shalt  }
0x67: {  	_ =	shalt  }
0x68: {  	_ =	shalt  }
0x69: {  	_ =	shalt  }
0x6a: {  	_ =	shalt  }
0x6b: {  	_ =	shalt  }
0x6c: {  	_ =	shalt  }
0x6d: {  	_ =	shalt  }
0x6e: {  	_ =	shalt  }
0x6f: {  	_ =	shalt  }
0x70: {  	_ =	shalt  }
0x71: {  	_ =	shalt  }
0x72: {  	_ =	shalt  }
0x73: {  	_ =	shalt  }
0x74: {  	_ =	shalt  }
0x75: {  	_ =	shalt  }
0x76: {  	_ =	shalt  }
0x77: {  	_ =	shalt  }
0x78: {  	_ =	shalt  }
0x79: {  	_ =	shalt  }
0x7a: {  	_ =	shalt  }
0x7b: {  	_ =	shalt  }
0x7c: {  	_ =	shalt  }
0x7d: {  	_ =	shalt  }
0x7e: {  	_ =	shalt  }
0x7f: {  	_ =	shalt  }
0x80: {  	_ =	shalt  }
0x81: {  	_ =	shalt  }
0x82: {  	_ =	shalt  }
0x83: {  	_ =	shalt  }
0x84: {  	_ =	shalt  }
0x85: {  	_ =	shalt  }
0x86: {  	_ =	shalt  }
0x87: {  	_ =	shalt  }
.Lfunc_end0:
.L_simem_size_0:
called_computation_lowered:
.L_overlay_start_0:
0x88: {  	s2 =	sld [smem:$0x3FD9]  }
0x89: {  	s3 =	sld [smem:$0x3FFE];
	_ =	sdelay $0x1  }
0x8a: {  	s1 =	srdreg.scid  }
0x8b: {  	s0 =	sand.u32 $0x1, s1  }
0x8c: {  	s17 =	sshll.u32 s0, $0xA;
	s2 =	sadd.s32 s3, s2  }
0x8d: {  	s2 =	sadd.s32 s2, s17  }
0x8e: {  	[smem:$0x3FC2] =	sst s2  }
0x8f: {  	_ = 	snop  }
0x90: {  	s2 =	sld [smem:$0x3FC9]  }
0x91: {  	s18 =	sld [smem:$0x3FD0];
	(tm) =	ssettm $0x1  }
0x92: {  	s4 =	sld [smem:$0x3FFB];
	_ =	sdelay $0x3  }
0x93: {  	_ =	strace s4  }
0x94: {  	s4 =	sld [smem:$0x3FFC];
	_ =	sdelay $0x3  }
0x95: {  	_ =	strace s4  }
0x96: {  	s4 =	sld [smem:$0x3FFD];
	_ =	sdelay $0x3  }
0x97: {  	_ =	strace s4  }
0x98: {  	_ =	strace $0x8FFFFFFF  }
0x99: {  	s19 =	sld [smem:$0x3FDB];
	_ =	sdelay $0x1  }
0x9a: {  	s5 =	simm.s32 $_scs_section_size  }
0x9b: {  	s6 =	simm.s32 $_size__tile_overlayer_lowered;
	s7 =	simm.s32 $_tile_overlayer_lowered  }
0x9c: {  	s22 =	simm.s32 $0x1BFF;
	s21 =	sshll.u32 s7, $0x1;
	s4 =	sadd.s32 s5, s19  }
0x9d: {  	s8 =	simm.s32 $0x0;
	s20 =	sshll.u32 s6, $0x1;
	s6 =	sadd.s32 s21, s4  }
0x9e: {  	[timem:s8], [sflag:s22] =	dma.local [hbm:s6], s20  }
0x9f: {  	_ =	swait.ge [sflag:s22], s20  }
0xa0: {  	s5 =	ssub.s32 $0x0, s20;
	[sflag:s22] =	ssyncset.done $0x0  }
0xa1: {  	[sflag:s22] =	ssyncadd.s32 s5;
	_ =	sdelay $0x1  }
0xa2: {  	s23 =	simm.s32 $0x1B8B  }
0xa3: {  	_ =	swait.ge [sflag:s23], $0x1  }
0xa4: {  	[sflag:s23] =	ssyncset.done $0x0  }
0xa5: {  	s25 =	simm.s32 $0x1B8E;
	s24 =	sld [smem:$0x3FFE];
	[sflag:s23] =	ssyncadd.s32 $0xFFFFFFFF  }
0xa6: {  	s26 =	simm.s32 $execute0_lowered;
	[smem:$0x3FD2] =	sst s25  }
0xa7: {  	s6 =	sshll.u32 s26, $0x1;
	_ =	strace $0x80000046;
	[dreg:$0x1] =	wrdreg $0xFFFFFFFF  }
0xa8: {  	s28 =	simm.s32 $_size_execute0_lowered;
	s4 =	sadd.s32 s4, s6;
	[dreg:$0x0] =	wrdreg $0x0  }
0xa9: {  	s6 =	sshll.u32 s28, $0x1;
	[dreg:$0x2] =	wrdreg s4  }
0xaa: {  	[dreg:$0x3] =	wrdreg s6  }
0xab: {  	[dreg:$0x4] =	wrdreg $0xC0  }
0xac: {  	_ =	task [dreg:s8], $0x5FFFF  }
0xad: {  	[dreg:$0x1] =	wrdreg $0xFFFFFFFF  }
0xae: {  	[dreg:$0x0] =	wrdreg $0x60  }
0xaf: {  	[dreg:$0x2] =	wrdreg s2  }
0xb0: {  	[dreg:$0x3] =	wrdreg s24  }
0xb1: {  	[dreg:$0x4] =	wrdreg s18  }
0xb2: {  	[dreg:$0x5] =	wrdreg $0x0  }
0xb3: {  	[dreg:$0x6] =	wrdreg $0x9  }
0xb4: {  	_ =	task.clear_ibuf [dreg:s8], $0x7FFFF;
	_ =	strace $0x90000046  }
0xb5: {  	s29 =	simm.s32 $0x9;
	_ =	strace $0x80000048  }
0xb6: {  	_ =	swait.ge [sflag:s29], $0x1  }
0xb7: {  	[sflag:s29] =	ssyncadd.s32 $0xFFFFFFFF  }
0xb8: {  	_ =	strace $0x90000048  }
0xb9: {  	_ =	sfence  }
0xba: {  	s30 =	sld [smem:$0x0];
	_ =	sdelay $0x2  }
0xbb: {  	s31 =	sshll.u32 s1, $0xD;
	s1 =	sshrl.u32 s1, $0x2  }
0xbc: {  	s3 =	sand.u32 $0x4000, s31;
	s1 =	sadd.s32 s1, s30  }
0xbd: {  	s0 =	sor.u32 s3, s0;
	s1 =	sshll.u32 s1, $0x11  }
0xbe: {  	s0 =	sor.u32 s1, s0  }
0xbf: {  	s0 =	sadd.s32 $0x8F2B, s0  }
0xc0: {  	[sflag:s0] =	ssyncadd.remote.s32 $0x1  }
0xc1: {  	_ =	sfence.sel $0xFFFF  }
0xc2: {  	[dreg:$0x0] =	wrdreg $0xFFFFFFFF;
	(pc) =	sbr.abs _section_cstart, $3  }
0xc3: {  	[dreg:$0x1] =	wrdreg $0xFFFFFFFF  }
0xc4: {  	_ =	task.clear_ibuf [dreg:s8], $0x2FFFF;
	_ =	strace $0x9FFFFFFF  }
0xc5: {  	(tm) =	ssettm $0x7FFFFFFF  }
tec
execute0_lowered:
.L_overlay_start_1:
0x0: {  	(tag) =	ssettag $0x1  }
0x1: {  	s20 =	stileid.u32  }
0x2: {  	p0 =	sgt.s32 s20, $0x3  }
0x3: {  	p2 =	sgt.s32 @p0 s20, $0x5  }
0x4: {  	p1 =	por !p2, !p0  }
0x5: {  	p3 =	seq.s32 @!p1 s20, $0x6  }
0x6: {  	p5 =	sgt.s32 @!p0 s20, $0x1;
	p1 =	por @p0 !p3, !p2  }
0x7: {  	p4 =	por p2, !p0;
	p6 =	por !p5, p0;
	s0 =	simm.s32 @!p1 $0x0  }
0x8: {  	p4 =	seq.s32 @!p4 s20, $0x4;
	s0 =	simm.s32 @p1 $0x1;
	p1 =	por @p0 p3, !p2  }
0x9: {  	p6 =	seq.s32 @!p6 s20, $0x2;
	[smem:$0x7D0] =	sst s0;
	s0 =	simm.s32 @!p1 $0x0  }
0xa: {  	s0 =	simm.s32 @p1 $0x1;
	p1 =	por @p0 !p4, p2;
	s9 =	sld [smem:$0x7D0]  }
0xb: {  	p2 =	por @p0 p4, p2;
	[smem:$0x7D1] =	sst s0;
	s0 =	simm.s32 @!p1 $0x0  }
0xc: {  	p4 =	por @!p0 !p6, !p5;
	s0 =	simm.s32 @p1 $0x1;
	p1 =	por p5, p0  }
0xd: {  	p6 =	por @!p0 p6, !p5;
	s10 =	sld [smem:$0x7D1];
	p1 =	seq.s32 @!p1 s20, $0x0  }
0xe: {  	p3 =	por @!p0 !p1, p5;
	p1 =	por @!p0 p1, p5;
	p5 =	seq.s32 s9, $0x1  }
0xf: {  	p5 =	por p5, !p0  }
0x10: {  	[smem:$0x7D2] =	sst s0;
	s0 =	simm.s32 @!p5 $0x0  }
0x11: {  	s11 =	sld [smem:$0x7D2];
	s0 =	simm.s32 @p5 $0x1;
	p5 =	seq.s32 s10, $0x1  }
0x12: {  	p5 =	por p5, !p0  }
0x13: {  	[smem:$0x7D8] =	sst s0;
	s0 =	simm.s32 @!p5 $0x0  }
0x14: {  	s0 =	simm.s32 @p5 $0x1;
	p5 =	seq.s32 s11, $0x1  }
0x15: {  	s1 =	rddreg [dreg:$0x0];
	p5 =	por p5, !p0  }
0x16: {  	[smem:$0x7D9] =	sst s0;
	s0 =	simm.s32 @!p5 $0x0  }
0x17: {  	s12 =	rddreg [dreg:$0x1];
	p2 =	por p2, !p0;
	s0 =	simm.s32 @p5 $0x1  }
0x18: {  	[smem:$0x7DA] =	sst s0;
	s0 =	simm.s32 @!p2 $0x0  }
0x19: {  	s3 =	rddreg [dreg:$0x2];
	s0 =	simm.s32 @p2 $0x1;
	p2 =	por p4, p0  }
0x1a: {  	s4 =	srdreg.scid;
	[smem:$0x7DB] =	sst s0;
	s0 =	simm.s32 @!p2 $0x0  }
0x1b: {  	s7 =	simm.s32 $0x0;
	p4 =	por p6, p0;
	s0 =	simm.s32 @p2 $0x1  }
0x1c: {  	p6 =	por p3, p0;
	[smem:$0x7DC] =	sst s0;
	s0 =	simm.s32 @!p4 $0x0  }
0x1d: {  	p0 =	por p1, p0;
	p2 =	sgt.s32 s20, $0xB;
	s0 =	simm.s32 @p4 $0x1  }
0x1e: {  	p4 =	sgt.s32 @p2 s20, $0xD;
	[smem:$0x7DD] =	sst s0;
	s0 =	simm.s32 @!p0 $0x0  }
0x1f: {  	s4 =	sand.u32 $0x1, s4;
	s0 =	simm.s32 @p0 $0x1;
	p0 =	por !p4, !p2  }
0x20: {  	[smem:$0x7FF] =	sst s7;
	s18 =	smul.u32 $0x50000, s20;
	p1 =	seq.s32 @!p0 s20, $0xE  }
0x21: {  	s5 =	sshll.u32 s4, $0x4;
	s4 =	ssub.s32 $0x2, s4;
	p0 =	por @p2 !p1, !p4  }
0x22: {  	s5 =	sor.u32 s20, s5;
	s21 =	sshrl.u32 s4, $0x1;
	s2 =	simm.s32 @!p0 $0x0  }
0x23: {  	p3 =	por p4, !p2;
	s2 =	simm.s32 @p0 $0x1;
	p0 =	por @p2 p1, !p4  }
0x24: {  	p5 =	seq.s32 @!p3 s20, $0xC;
	[smem:$0x7D3] =	sst s2;
	s2 =	simm.s32 @!p0 $0x0  }
0x25: {  	[smem:$0x7DE] =	sst s0;
	s2 =	simm.s32 @p0 $0x1;
	p0 =	por @p2 !p5, p4  }
0x26: {  	s13 =	smul.u32 $0x4E2, s5;
	[smem:$0x7D4] =	sst s2;
	s2 =	simm.s32 @!p0 $0x0  }
0x27: {  	s8 =	sld [smem:$0x7D3];
	s2 =	simm.s32 @p0 $0x1;
	p0 =	por @p2 p5, p4  }
0x28: {  	p5 =	sgt.s32 @!p2 s20, $0x9;
	[smem:$0x7D5] =	sst s2;
	s2 =	simm.s32 @!p0 $0x0  }
0x29: {  	p1 =	por p5, p2;
	s2 =	simm.s32 @p0 $0x1;
	p0 =	por !p5, p2  }
0x2a: {  	s14 =	sld [smem:$0x7D4];
	p1 =	seq.s32 @!p1 s20, $0x8;
	p0 =	seq.s32 @!p0 s20, $0xA  }
0x2b: {  	p4 =	por @!p2 !p1, p5;
	p1 =	por @!p2 p1, p5;
	p3 =	por @!p2 !p0, !p5  }
0x2c: {  	p0 =	por @!p2 p0, !p5;
	s6 =	simm.s32 @!p1 $0x0;
	p5 =	seq.s32 s8, $0x1  }
0x2d: {  	s15 =	sld [smem:$0x7D5];
	s6 =	simm.s32 @p1 $0x1;
	p1 =	por p5, !p2  }
0x2e: {  	[smem:$0x7D6] =	sst s2;
	p5 =	seq.s32 s14, $0x1;
	s8 =	simm.s32 @!p1 $0x0  }
0x2f: {  	s16 =	sld [smem:$0x7D6];
	s8 =	simm.s32 @p1 $0x1;
	p1 =	por p5, !p2  }
0x30: {  	p5 =	seq.s32 s15, $0x1;
	[smem:$0x7DF] =	sst s8;
	s8 =	simm.s32 @!p1 $0x0  }
0x31: {  	s2 =	rddreg [dreg:$0x3];
	s8 =	simm.s32 @p1 $0x1;
	p1 =	por p5, !p2  }
0x32: {  	p5 =	seq.s32 s16, $0x1;
	[smem:$0x7E0] =	sst s8;
	s8 =	simm.s32 @!p1 $0x0  }
0x33: {  	[smem:$0x7D7] =	sst s6;
	s8 =	simm.s32 @p1 $0x1;
	p1 =	por p5, !p2  }
0x34: {  	s23 =	sshrl.u32 s18, $0x2;
	[smem:$0x7E1] =	sst s8;
	s8 =	simm.s32 @!p1 $0x0  }
0x35: {  	s19 =	sadd.s32 s13, s12;
	s17 =	sld [smem:$0x7D7];
	s8 =	simm.s32 @p1 $0x1  }
0x36: {  	s4 =	ssub.s32 s4, s21;
	s22 =	sadd.s32 $0xE00, s19;
	[smem:$0x7E2] =	sst s8  }
0x37: {  	s3 =	sadd.s32 s3, s13;
	_ =	strace $0x80000047;
	[dreg:$0x5] =	wrdreg s22  }
0x38: {  	s4 =	smax.u32 s4, $0x1;
	s7 =	sadd.s32 s23, s2;
	[dreg:$0x6] =	wrdreg s3  }
0x39: {  	s24 =	sadd.s32 $0x800, s7;
	[dreg:$0x7] =	wrdreg s4  }
0x3a: {  	[dreg:$0x8] =	wrdreg s24  }
0x3b: {  	s25 =	sld [smem:$0x7D8]  }
0x3c: {  	s26 =	sld [smem:$0x7D9]  }
0x3d: {  	s21 =	sld [smem:$0x7DB]  }
0x3e: {  	s22 =	sld [smem:$0x7DC]  }
0x3f: {  	s23 =	sld [smem:$0x7DD]  }
0x40: {  	s14 =	sadd.s32 $0x78000, s2;
	s24 =	sld [smem:$0x7DE]  }
0x41: {  	p5 =	por p3, p2;
	p3 =	seq.s32 s25, $0x1;
	s25 =	sld [smem:$0x7DF]  }
0x42: {  	s4 =	sshrl.u32 @!p3 s14, $0x3;
	s14 =	sld [smem:$0x7DA]  }
0x43: {  	s28 =	simm.s32 $0x8;
	p3 =	seq.s32 s26, $0x1;
	s26 =	sld [smem:$0x7E0]  }
0x44: {  	s29 =	simm.s32 $0x5;
	s13 =	sadd.s32 $0x8C000, s2;
	[dreg:$0x9] =	wrdreg s4  }
0x45: {  	s16 =	sadd.s32 $0x50000, s2;
	s4 =	sshrl.u32 @!p3 s13, $0x3;
	s13 =	sld [smem:$0x7E2]  }
0x46: {  	[dreg:$0xa] =	wrdreg s4;
	p3 =	seq.s32 s14, $0x1;
	s14 =	sadd.s32 $0x1000, s7  }
0x47: {  	s30 =	simm.s32 $0x9;
	s4 =	sshrl.u32 @!p3 s16, $0x3;
	[dreg:$0x18] =	wrdreg s14  }
0x48: {  	s5 =	smul.u32 $0x2800, s5;
	s16 =	sadd.s32 $0x2000, s7;
	[dreg:$0xb] =	wrdreg s4  }
0x49: {  	p3 =	seq.s32 s21, $0x1;
	s21 =	sadd.s32 $0x4800, s7;
	[dreg:$0x1a] =	wrdreg s16  }
0x4a: {  	s15 =	sadd.s32 $0x64000, s2;
	s14 =	sadd.s32 $0xC000, s7;
	[dreg:$0x1f] =	wrdreg s21  }
0x4b: {  	s31 =	simm.s32 $0xA;
	s4 =	sshrl.u32 @!p3 s15, $0x3;
	[smem:$0x7F1] =	sst s14  }
0x4c: {  	s0 =	sadd.s32 s5, s12;
	s15 =	sadd.s32 $0x1800, s7;
	[dreg:$0xc] =	wrdreg s4  }
0x4d: {  	p3 =	seq.s32 s22, $0x1;
	s22 =	sadd.s32 $0x5000, s7;
	[dreg:$0x19] =	wrdreg s15  }
0x4e: {  	s5 =	sadd.s32 $0x104000, s2;
	s16 =	sadd.s32 $0xD000, s7;
	[smem:$0x7E3] =	sst s22  }
0x4f: {  	s18 =	sadd.s32 $0x28000, s2;
	s21 =	sadd.s32 $0xF800, s7;
	[smem:$0x7F3] =	sst s16  }
0x50: {  	s9 =	sadd.s32 $0xDC000, s2;
	s4 =	sshrl.u32 @!p3 s18, $0x3;
	[smem:$0x7F8] =	sst s21  }
0x51: {  	p1 =	por p4, p2;
	s18 =	sadd.s32 $0x3000, s7;
	[dreg:$0xd] =	wrdreg s4  }
0x52: {  	p3 =	seq.s32 s23, $0x1;
	s23 =	sadd.s32 $0x5800, s7;
	[dreg:$0x1c] =	wrdreg s18  }
0x53: {  	p4 =	seq.s32 s17, $0x1;
	s15 =	sadd.s32 $0xC800, s7;
	[smem:$0x7E4] =	sst s23  }
0x54: {  	s17 =	sadd.s32 $0x3C000, s2;
	s22 =	sadd.s32 $0x10000, s7;
	[smem:$0x7F2] =	sst s15  }
0x55: {  	s10 =	sadd.s32 $0xC8000, s2;
	s4 =	sshrl.u32 @!p3 s17, $0x3;
	[smem:$0x7F9] =	sst s22  }
0x56: {  	s11 =	sadd.s32 $0xB4000, s2;
	s17 =	sadd.s32 $0x2800, s7;
	[dreg:$0xe] =	wrdreg s4  }
0x57: {  	p3 =	seq.s32 s24, $0x1;
	s24 =	sadd.s32 $0x6000, s7;
	[dreg:$0x1b] =	wrdreg s17  }
0x58: {  	s12 =	sadd.s32 $0xA0000, s2;
	s18 =	sadd.s32 $0xE000, s7;
	[smem:$0x7E5] =	sst s24  }
0x59: {  	s19 =	sadd.s32 $0x14000, s2;
	s23 =	sadd.s32 $0x10800, s7;
	[smem:$0x7F5] =	sst s18  }
0x5a: {  	p0 =	por p0, p2;
	s4 =	sshrl.u32 @!p3 s19, $0x3;
	[smem:$0x7FA] =	sst s23  }
0x5b: {  	s6 =	sadd.s32 $0xF0000, s2;
	p2 =	por p4, p2;
	[dreg:$0xf] =	wrdreg s4  }
0x5c: {  	s8 =	sadd.s32 $0xAC00, s0;
	s19 =	sadd.s32 $0x3800, s7;
	s4 =	sld [smem:$0x7E1]  }
0x5d: {  	p3 =	seq.s32 s25, $0x1;
	s25 =	sadd.s32 $0x6800, s7;
	[dreg:$0x1d] =	wrdreg s19  }
0x5e: {  	s0 =	sadd.s32 $0x12C000, s2;
	s17 =	sadd.s32 $0xD800, s7;
	[smem:$0x7E6] =	sst s25  }
0x5f: {  	s3 =	sadd.s32 $0x118000, s2;
	s24 =	sadd.s32 $0x11000, s7;
	[smem:$0x7F4] =	sst s17  }
0x60: {  	s14 =	sadd.s32 $0x13800, s7;
	s3 =	sshrl.u32 @!p3 s3, $0x3;
	[smem:$0x7FB] =	sst s24  }
0x61: {  	p3 =	seq.s32 s26, $0x1;
	s26 =	sadd.s32 $0x7000, s7;
	[dreg:$0x10] =	wrdreg s3  }
0x62: {  	s16 =	simm.s32 $0xC;
	s19 =	sadd.s32 $0xE800, s7;
	[smem:$0x7E7] =	sst s26  }
0x63: {  	s21 =	simm.s32 $0x1B700;
	s25 =	sadd.s32 $0x11800, s7;
	[smem:$0x7F6] =	sst s19  }
0x64: {  	s22 =	simm.s32 $0x1CB00;
	s0 =	sshrl.u32 @!p3 s0, $0x3;
	[smem:$0x7FC] =	sst s25  }
0x65: {  	s15 =	simm.s32 $0x0;
	s3 =	sadd.s32 $0x7800, s7;
	[dreg:$0x11] =	wrdreg s0  }
0x66: {  	s18 =	simm.s32 $0x28;
	s26 =	sadd.s32 $0x12000, s7;
	[smem:$0x7E8] =	sst s3  }
0x67: {  	[smem:$0x7FD] =	sst s26;
	p3 =	seq.s32 s4, $0x1;
	s4 =	sadd.s32 $0x8000, s7  }
0x68: {  	s23 =	simm.s32 $0x1F300;
	s0 =	sshrl.u32 @!p3 s6, $0x3;
	[smem:$0x7E9] =	sst s4  }
0x69: {  	s24 =	simm.s32 $0xB;
	s6 =	sadd.s32 $0x9000, s7;
	[dreg:$0x12] =	wrdreg s0  }
0x6a: {  	p3 =	seq.s32 s13, $0x1;
	s13 =	sadd.s32 $0xB800, s7;
	[smem:$0x7EB] =	sst s6  }
0x6b: {  	s19 =	simm.s32 $0x18F00;
	s0 =	sshrl.u32 @!p3 s5, $0x3;
	[smem:$0x7F0] =	sst s13  }
0x6c: {  	p3 =	sgt.s32 s20, $0x7;
	s20 =	sadd.s32 $0x4000, s7;
	[dreg:$0x13] =	wrdreg s0  }
0x6d: {  	s25 =	simm.s32 $0x1;
	s5 =	sadd.s32 $0x8800, s7;
	[dreg:$0x1e] =	wrdreg s20  }
0x6e: {  	s26 =	simm.s32 $0x4;
	s0 =	sshrl.u32 @!p5 s10, $0x3;
	[smem:$0x7EA] =	sst s5  }
0x6f: {  	s4 =	simm.s32 $0x1DF00;
	s10 =	sadd.s32 $0xA000, s7;
	[dreg:$0x14] =	wrdreg s0  }
0x70: {  	s13 =	sadd.s32 $0x13000, s7;
	s20 =	sadd.s32 $0xF000, s7;
	[smem:$0x7ED] =	sst s10  }
0x71: {  	s6 =	simm.s32 $0x6;
	s0 =	sshrl.u32 @!p0 s9, $0x3;
	[smem:$0x7F7] =	sst s20  }
0x72: {  	s5 =	simm.s32 $0x2;
	s9 =	sadd.s32 $0x9800, s7;
	[dreg:$0x15] =	wrdreg s0  }
.Ltmp0:
0x73: {  	s0 =	sshrl.u32 @!p1 s12, $0x3;
	[smem:$0x7EC] =	sst s9;
	(pc) =	sbr.rel .LBB2_1-.Ltmp0, $4  }
0x74: {  	s20 =	simm.s32 $0x1A300;
	s12 =	sadd.s32 $0xB000, s7;
	[dreg:$0x16] =	wrdreg s0  }
0x75: {  	s10 =	simm.s32 $0x7;
	s0 =	sshrl.u32 @!p2 s11, $0x3;
	[smem:$0x7EF] =	sst s12  }
0x76: {  	s9 =	simm.s32 $0x3;
	s11 =	sadd.s32 $0xA800, s7;
	[dreg:$0x17] =	wrdreg s0  }
0x77: {  	v0 =	vimm.f32 $0.0e+00;
	s12 =	sadd.s32 $0x12800, s7;
	[smem:$0x7EE] =	sst s11;
	s11 =	simm.s32 $0x16780  }
.LBB2_9:
0x78: {  	s0 =	sld [smem:$0x7DF];
	_ =	sdelay $0x2  }
0x79: {  	p4 =	seq.s32 s0, $0x1  }
0x7a: {  	s3 =	rddreg [dreg:$0x10];
	s0 =	simm.s32 @!p4 $0x1F8C  }
0x7b: {  	[hbm:s8], [sflag:s0] =	dma.local @!p4 [spmem:s3], $0x2800  }
0x7c: {  	s0 =	sld [smem:$0x7E0];
	_ =	sdelay $0x2  }
0x7d: {  	p4 =	seq.s32 s0, $0x1  }
0x7e: {  	s3 =	rddreg [dreg:$0x11];
	s0 =	simm.s32 @!p4 $0x1FCC  }
0x7f: {  	[hbm:s8], [sflag:s0] =	dma.local @!p4 [spmem:s3], $0x2800  }
0x80: {  	s0 =	sld [smem:$0x7E1];
	_ =	sdelay $0x2  }
0x81: {  	p4 =	seq.s32 s0, $0x1  }
0x82: {  	s3 =	rddreg [dreg:$0x12];
	s0 =	simm.s32 @!p4 $0x1F0C  }
0x83: {  	[hbm:s8], [sflag:s0] =	dma.local @!p4 [spmem:s3], $0x2800  }
0x84: {  	s0 =	sld [smem:$0x7E2];
	_ =	sdelay $0x2  }
0x85: {  	p4 =	seq.s32 s0, $0x1  }
0x86: {  	s3 =	rddreg [dreg:$0x13];
	s0 =	simm.s32 @!p4 $0x1F4C  }
0x87: {  	[hbm:s8], [sflag:s0] =	dma.local @!p4 [spmem:s3], $0x2800  }
0x88: {  	s0 =	simm.s32 @!p5 $0x1E8C;
	s3 =	rddreg [dreg:$0x14]  }
0x89: {  	[hbm:s8], [sflag:s0] =	dma.local @!p5 [spmem:s3], $0x2800  }
0x8a: {  	s0 =	simm.s32 @!p0 $0x1ECC;
	s3 =	rddreg [dreg:$0x15]  }
0x8b: {  	[hbm:s8], [sflag:s0] =	dma.local @!p0 [spmem:s3], $0x2800  }
0x8c: {  	s0 =	simm.s32 @!p1 $0x1E0C;
	s3 =	rddreg [dreg:$0x16]  }
0x8d: {  	[hbm:s8], [sflag:s0] =	dma.local @!p1 [spmem:s3], $0x2800  }
0x8e: {  	s0 =	simm.s32 @!p2 $0x1E4C;
	s3 =	rddreg [dreg:$0x17]  }
0x8f: {  	[hbm:s8], [sflag:s0] =	dma.local @!p2 [spmem:s3], $0x2800  }
.LBB2_10:
0x90: {  	_ =	swait.ge [sflag:s16], $0x2800  }
0x91: {  	s15 =	sadd.s32 $0x1, s15;
	s0 =	rddreg [dreg:$0x7]  }
0x92: {  	p4 =	sne.s32 s15, s0  }
.Ltmp1:
0x93: {  	_ = 	snop;
	(pc) =	sbr.rel @!p4 .LBB2_11-.Ltmp1, $3  }
0x94: {  	_ =	sdelay $0x1  }
0x95: {  	[sflag:s16] =	ssyncset.done $0x0  }
0x96: {  	[sflag:s16] =	ssyncadd.s32 $0xFFFFD800  }
.LBB2_1:
0x97: {  	s0 =	simm.s32 $0x0;
	s3 =	rddreg [dreg:$0x5];
	s17 =	simm.s32 $0x14000  }
0x98: {  	[tilespmem:s17], [sflag:$0xC] =	stream.linear.gather [hbm4b:s3+s0], $0x2710, $0x38;
	[tilespmem:$0x1FB00] =	vst v63  }
0x99: {  	_ =	swait.ge [sflag:s16], $0x2710  }
0x9a: {  	[sflag:s16] =	ssyncset.done $0x0  }
0x9b: {  	s3 =	rddreg [dreg:$0x6];
	[sflag:s16] =	ssyncadd.s32 $0xFFFFD8F0  }
0x9c: {  	[tilespmem:s11], [sflag:$0xC] =	stream.linear.gather [hbm4b:s3+s0], $0x2710, $0x38;
	[tilespmem:$0x1FB00] =	vst v63  }
0x9d: {  	_ =	swait.ge [sflag:s16], $0x2710  }
0x9e: {  	[sflag:s16] =	ssyncset.done $0x0  }
0x9f: {  	[sflag:s16] =	ssyncadd.s32 $0xFFFFD8F0  }
0xa0: {  	[tilespmem:s19], [sflag:$0x1] =	stream.indirect.gather [hbm4b:s1+s18], $0x80, s17, s18, $0xb8;
	[tilespmem:$0x1FB00] =	vst v63  }
0xa1: {  	s17 =	simm.s32 $0x14028  }
0xa2: {  	[tilespmem:s20], [sflag:$0x2] =	stream.indirect.gather [hbm4b:s1+s18], $0x80, s17, s18, $0xb8;
	[tilespmem:$0x1FB00] =	vst v63  }
0xa3: {  	s3 =	simm.s32 $0x14050  }
0xa4: {  	[tilespmem:s21], [sflag:$0x3] =	stream.indirect.gather [hbm4b:s1+s18], $0x80, s3, s18, $0xb8;
	[tilespmem:$0x1FB00] =	vst v63  }
0xa5: {  	s0 =	simm.s32 $0x0;
	s17 =	simm.s32 $0x14078;
	s3 =	simm.s32 $0x200  }
0xa6: {  	[tilespmem:s22], [sflag:$0x4] =	stream.indirect.gather [hbm4b:s1+s18], $0x80, s17, s18, $0xb8;
	[tilespmem:$0x1FB00] =	vst v63  }
.LBB2_2:
0xa7: {  	p4 =	sne.s32 s3, $0x1E00;
	[tilespmem:s0+$0x1F370] =	vst v0  }
0xa8: {  	[tilespmem:s0+$0x1F300] =	vst v0  }
0xa9: {  	[tilespmem:s0+$0x1F310] =	vst v0  }
.Ltmp2:
0xaa: {  	[tilespmem:s0+$0x1F320] =	vst v0;
	(pc) =	sbr.rel @p4 .LBB2_2-.Ltmp2, $4  }
0xab: {  	[tilespmem:s0+$0x1F330] =	vst v0  }
0xac: {  	[tilespmem:s0+$0x1F340] =	vst v0  }
0xad: {  	[tilespmem:s0+$0x1F350] =	vst v0  }
0xae: {  	[tilespmem:s0+$0x1F360] =	vst v0;
	s0 =	sshra.s32 s3, $0x2;
	s3 =	sadd.s32 $0x200, s3  }
0xaf: {  	[tilespmem:s0+$0x1F370] =	vst v0  }
0xb0: {  	[tilespmem:s0+$0x1F300] =	vst v0  }
0xb1: {  	[tilespmem:s0+$0x1F310] =	vst v0  }
0xb2: {  	[tilespmem:s0+$0x1F320] =	vst v0  }
0xb3: {  	[tilespmem:s0+$0x1F330] =	vst v0  }
0xb4: {  	[tilespmem:s0+$0x1F340] =	vst v0  }
0xb5: {  	[tilespmem:s0+$0x1F350] =	vst v0  }
0xb6: {  	[tilespmem:s0+$0x1F360] =	vst v0;
	s3 =	rddreg [dreg:$0x8]  }
0xb7: {  	[spmem:s7] =	stream.linear.scatter [tilespmem:s23], [sflag:$0xB], $0x800, $0x38;
	[tilespmem:$0x1FB00] =	vst v63  }
0xb8: {  	s17 =	rddreg [dreg:$0x18]  }
0xb9: {  	[spmem:s3] =	stream.linear.scatter [tilespmem:s23], [sflag:$0xB], $0x800, $0x38;
	[tilespmem:$0x1FB00] =	vst v63  }
0xba: {  	s3 =	rddreg [dreg:$0x19]  }
0xbb: {  	[spmem:s17] =	stream.linear.scatter [tilespmem:s23], [sflag:$0xB], $0x800, $0x38;
	[tilespmem:$0x1FB00] =	vst v63  }
0xbc: {  	s17 =	rddreg [dreg:$0x1a]  }
0xbd: {  	[spmem:s3] =	stream.linear.scatter [tilespmem:s23], [sflag:$0xB], $0x800, $0x38;
	[tilespmem:$0x1FB00] =	vst v63  }
0xbe: {  	s3 =	rddreg [dreg:$0x1b]  }
0xbf: {  	[spmem:s17] =	stream.linear.scatter [tilespmem:s23], [sflag:$0xB], $0x800, $0x38;
	[tilespmem:$0x1FB00] =	vst v63  }
0xc0: {  	s17 =	rddreg [dreg:$0x1c]  }
0xc1: {  	[spmem:s3] =	stream.linear.scatter [tilespmem:s23], [sflag:$0xB], $0x800, $0x38;
	[tilespmem:$0x1FB00] =	vst v63  }
0xc2: {  	s3 =	rddreg [dreg:$0x1d]  }
0xc3: {  	[spmem:s17] =	stream.linear.scatter [tilespmem:s23], [sflag:$0xB], $0x800, $0x38;
	[tilespmem:$0x1FB00] =	vst v63  }
0xc4: {  	s17 =	rddreg [dreg:$0x1e]  }
0xc5: {  	[spmem:s3] =	stream.linear.scatter [tilespmem:s23], [sflag:$0xB], $0x800, $0x38;
	[tilespmem:$0x1FB00] =	vst v63  }
0xc6: {  	s3 =	rddreg [dreg:$0x1f]  }
0xc7: {  	[spmem:s17] =	stream.linear.scatter [tilespmem:s23], [sflag:$0xB], $0x800, $0x38;
	[tilespmem:$0x1FB00] =	vst v63  }
0xc8: {  	s17 =	sld [smem:$0x7E3]  }
0xc9: {  	[spmem:s3] =	stream.linear.scatter [tilespmem:s23], [sflag:$0xB], $0x800, $0x38;
	[tilespmem:$0x1FB00] =	vst v63  }
0xca: {  	s3 =	sld [smem:$0x7E4]  }
0xcb: {  	[spmem:s17] =	stream.linear.scatter [tilespmem:s23], [sflag:$0xB], $0x800, $0x38;
	[tilespmem:$0x1FB00] =	vst v63  }
0xcc: {  	s17 =	sld [smem:$0x7E5]  }
0xcd: {  	[spmem:s3] =	stream.linear.scatter [tilespmem:s23], [sflag:$0xB], $0x800, $0x38;
	[tilespmem:$0x1FB00] =	vst v63  }
0xce: {  	s3 =	sld [smem:$0x7E6]  }
0xcf: {  	[spmem:s17] =	stream.linear.scatter [tilespmem:s23], [sflag:$0xB], $0x800, $0x38;
	[tilespmem:$0x1FB00] =	vst v63  }
0xd0: {  	s17 =	sld [smem:$0x7E7]  }
0xd1: {  	[spmem:s3] =	stream.linear.scatter [tilespmem:s23], [sflag:$0xB], $0x800, $0x38;
	[tilespmem:$0x1FB00] =	vst v63  }
0xd2: {  	s3 =	sld [smem:$0x7E8]  }
0xd3: {  	[spmem:s17] =	stream.linear.scatter [tilespmem:s23], [sflag:$0xB], $0x800, $0x38;
	[tilespmem:$0x1FB00] =	vst v63  }
0xd4: {  	s17 =	sld [smem:$0x7E9]  }
0xd5: {  	[spmem:s3] =	stream.linear.scatter [tilespmem:s23], [sflag:$0xB], $0x800, $0x38;
	[tilespmem:$0x1FB00] =	vst v63  }
0xd6: {  	s3 =	sld [smem:$0x7EA]  }
0xd7: {  	[spmem:s17] =	stream.linear.scatter [tilespmem:s23], [sflag:$0xB], $0x800, $0x38;
	[tilespmem:$0x1FB00] =	vst v63  }
0xd8: {  	s17 =	sld [smem:$0x7EB]  }
0xd9: {  	[spmem:s3] =	stream.linear.scatter [tilespmem:s23], [sflag:$0xB], $0x800, $0x38;
	[tilespmem:$0x1FB00] =	vst v63  }
0xda: {  	s3 =	sld [smem:$0x7EC]  }
0xdb: {  	[spmem:s17] =	stream.linear.scatter [tilespmem:s23], [sflag:$0xB], $0x800, $0x38;
	[tilespmem:$0x1FB00] =	vst v63  }
0xdc: {  	s17 =	sld [smem:$0x7ED]  }
0xdd: {  	[spmem:s3] =	stream.linear.scatter [tilespmem:s23], [sflag:$0xB], $0x800, $0x38;
	[tilespmem:$0x1FB00] =	vst v63  }
0xde: {  	s3 =	sld [smem:$0x7EE]  }
0xdf: {  	[spmem:s17] =	stream.linear.scatter [tilespmem:s23], [sflag:$0xB], $0x800, $0x38;
	[tilespmem:$0x1FB00] =	vst v63  }
0xe0: {  	s17 =	sld [smem:$0x7EF]  }
0xe1: {  	[spmem:s3] =	stream.linear.scatter [tilespmem:s23], [sflag:$0xB], $0x800, $0x38;
	[tilespmem:$0x1FB00] =	vst v63  }
0xe2: {  	s3 =	sld [smem:$0x7F0]  }
0xe3: {  	[spmem:s17] =	stream.linear.scatter [tilespmem:s23], [sflag:$0xB], $0x800, $0x38;
	[tilespmem:$0x1FB00] =	vst v63  }
0xe4: {  	s17 =	sld [smem:$0x7F1]  }
0xe5: {  	[spmem:s3] =	stream.linear.scatter [tilespmem:s23], [sflag:$0xB], $0x800, $0x38;
	[tilespmem:$0x1FB00] =	vst v63  }
0xe6: {  	s3 =	sld [smem:$0x7F2]  }
0xe7: {  	[spmem:s17] =	stream.linear.scatter [tilespmem:s23], [sflag:$0xB], $0x800, $0x38;
	[tilespmem:$0x1FB00] =	vst v63  }
0xe8: {  	s17 =	sld [smem:$0x7F3]  }
0xe9: {  	[spmem:s3] =	stream.linear.scatter [tilespmem:s23], [sflag:$0xB], $0x800, $0x38;
	[tilespmem:$0x1FB00] =	vst v63  }
0xea: {  	s3 =	sld [smem:$0x7F4]  }
0xeb: {  	[spmem:s17] =	stream.linear.scatter [tilespmem:s23], [sflag:$0xB], $0x800, $0x38;
	[tilespmem:$0x1FB00] =	vst v63  }
0xec: {  	s17 =	sld [smem:$0x7F5]  }
0xed: {  	[spmem:s3] =	stream.linear.scatter [tilespmem:s23], [sflag:$0xB], $0x800, $0x38;
	[tilespmem:$0x1FB00] =	vst v63  }
0xee: {  	s3 =	sld [smem:$0x7F6]  }
0xef: {  	[spmem:s17] =	stream.linear.scatter [tilespmem:s23], [sflag:$0xB], $0x800, $0x38;
	[tilespmem:$0x1FB00] =	vst v63  }
0xf0: {  	s17 =	sld [smem:$0x7F7]  }
0xf1: {  	[spmem:s3] =	stream.linear.scatter [tilespmem:s23], [sflag:$0xB], $0x800, $0x38;
	[tilespmem:$0x1FB00] =	vst v63  }
0xf2: {  	s3 =	sld [smem:$0x7F8]  }
0xf3: {  	[spmem:s17] =	stream.linear.scatter [tilespmem:s23], [sflag:$0xB], $0x800, $0x38;
	[tilespmem:$0x1FB00] =	vst v63  }
0xf4: {  	s17 =	sld [smem:$0x7F9]  }
0xf5: {  	[spmem:s3] =	stream.linear.scatter [tilespmem:s23], [sflag:$0xB], $0x800, $0x38;
	[tilespmem:$0x1FB00] =	vst v63  }
0xf6: {  	s3 =	sld [smem:$0x7FA]  }
0xf7: {  	[spmem:s17] =	stream.linear.scatter [tilespmem:s23], [sflag:$0xB], $0x800, $0x38;
	[tilespmem:$0x1FB00] =	vst v63  }
0xf8: {  	s17 =	sld [smem:$0x7FB]  }
0xf9: {  	[spmem:s3] =	stream.linear.scatter [tilespmem:s23], [sflag:$0xB], $0x800, $0x38;
	[tilespmem:$0x1FB00] =	vst v63  }
0xfa: {  	s3 =	sld [smem:$0x7FC]  }
0xfb: {  	[spmem:s17] =	stream.linear.scatter [tilespmem:s23], [sflag:$0xB], $0x800, $0x38;
	[tilespmem:$0x1FB00] =	vst v63  }
0xfc: {  	s17 =	sld [smem:$0x7FD]  }
0xfd: {  	[spmem:s3] =	stream.linear.scatter [tilespmem:s23], [sflag:$0xB], $0x800, $0x38;
	[tilespmem:$0x1FB00] =	vst v63  }
0xfe: {  	_ = 	snop  }
0xff: {  	[spmem:s17] =	stream.linear.scatter [tilespmem:s23], [sflag:$0xB], $0x800, $0x38;
	[tilespmem:$0x1FB00] =	vst v63  }
0x100: {  	_ = 	snop  }
0x101: {  	[spmem:s12] =	stream.linear.scatter [tilespmem:s23], [sflag:$0xB], $0x800, $0x38;
	[tilespmem:$0x1FB00] =	vst v63  }
0x102: {  	_ = 	snop  }
0x103: {  	[spmem:s13] =	stream.linear.scatter [tilespmem:s23], [sflag:$0xB], $0x800, $0x38;
	[tilespmem:$0x1FB00] =	vst v63  }
0x104: {  	_ = 	snop  }
0x105: {  	[spmem:s14] =	stream.linear.scatter [tilespmem:s23], [sflag:$0xB], $0x800, $0x38;
	[tilespmem:$0x1FB00] =	vst v63  }
0x106: {  	_ =	swait.ge [sflag:s24], $0x800  }
0x107: {  	s0 =	simm.s32 $0x27;
	[sflag:s24] =	ssyncset.done $0x0  }
.LBB2_4:
0x108: {  	p4 =	sne.s32 s0, $0x1;
	s0 =	sadd.s32 $0xFFFFFFFF, s0;
	[sflag:s24] =	ssyncadd.s32 $0xFFFFF800  }
.Ltmp3:
0x109: {  	(pc) =	sbr.rel @p4 .LBB2_4-.Ltmp3, $3  }
0x10a: {  	_ =	sdelay $0x1  }
0x10b: {  	_ =	swait.ge [sflag:s24], $0x800  }
0x10c: {  	[sflag:s24] =	ssyncset.done $0x0  }
0x10d: {  	[sflag:s24] =	ssyncadd.s32 $0xFFFFF800  }
0x10e: {  	[bflag:$0x0] =	sbarrier.arrive $0xFFFF  }
0x10f: {  	_ =	swait.ge [sflag:s25], $0x1400  }
0x110: {  	[sflag:s25] =	ssyncset.done $0x0  }
0x111: {  	s0 =	simm.s32 $0x16780;
	[sflag:s25] =	ssyncadd.s32 $0xFFFFEC00  }
0x112: {  	[spmem:s2] =	stream.indirect.scatter.add.f32 [tilespmem:s19], [sflag:$0x6], $0x80, s0, s18, $0xb8;
	[tilespmem:$0x1FB00] =	vst v63  }
0x113: {  	s3 =	simm.s32 $0x140A0  }
0x114: {  	[tilespmem:s4], [sflag:$0x5] =	stream.indirect.gather [hbm4b:s1+s18], $0x80, s3, s18, $0xb8;
	[tilespmem:$0x1FB00] =	vst v63  }
0x115: {  	_ =	swait.ge [sflag:s5], $0x1400  }
0x116: {  	[sflag:s5] =	ssyncset.done $0x0  }
0x117: {  	s17 =	simm.s32 $0x167A8;
	[sflag:s5] =	ssyncadd.s32 $0xFFFFEC00  }
0x118: {  	[spmem:s2] =	stream.indirect.scatter.add.f32 [tilespmem:s20], [sflag:$0x7], $0x80, s17, s18, $0xb8;
	[tilespmem:$0x1FB00] =	vst v63  }
0x119: {  	_ =	swait.ge [sflag:s6], $0x1400  }
0x11a: {  	[sflag:s6] =	ssyncset.done $0x0  }
0x11b: {  	s3 =	simm.s32 $0x140C8;
	[sflag:s6] =	ssyncadd.s32 $0xFFFFEC00  }
0x11c: {  	[tilespmem:s19], [sflag:$0x1] =	stream.indirect.gather [hbm4b:s1+s18], $0x80, s3, s18, $0xb8;
	[tilespmem:$0x1FB00] =	vst v63  }
0x11d: {  	_ =	swait.ge [sflag:s9], $0x1400  }
0x11e: {  	[sflag:s9] =	ssyncset.done $0x0  }
0x11f: {  	s17 =	simm.s32 $0x167D0;
	[sflag:s9] =	ssyncadd.s32 $0xFFFFEC00  }
0x120: {  	[spmem:s2] =	stream.indirect.scatter.add.f32 [tilespmem:s21], [sflag:$0x8], $0x80, s17, s18, $0xb8;
	[tilespmem:$0x1FB00] =	vst v63  }
0x121: {  	_ =	swait.ge [sflag:s10], $0x1400  }
0x122: {  	[sflag:s10] =	ssyncset.done $0x0  }
0x123: {  	s3 =	simm.s32 $0x140F0;
	[sflag:s10] =	ssyncadd.s32 $0xFFFFEC00  }
0x124: {  	[tilespmem:s20], [sflag:$0x2] =	stream.indirect.gather [hbm4b:s1+s18], $0x80, s3, s18, $0xb8;
	[tilespmem:$0x1FB00] =	vst v63  }
0x125: {  	_ =	swait.ge [sflag:s26], $0x1400  }
0x126: {  	[sflag:s26] =	ssyncset.done $0x0  }
0x127: {  	s17 =	simm.s32 $0x167F8;
	[sflag:s26] =	ssyncadd.s32 $0xFFFFEC00  }
0x128: {  	[spmem:s2] =	stream.indirect.scatter.add.f32 [tilespmem:s22], [sflag:$0x9], $0x80, s17, s18, $0xb8;
	[tilespmem:$0x1FB00] =	vst v63  }
0x129: {  	_ =	swait.ge [sflag:s28], $0x1400  }
0x12a: {  	[sflag:s28] =	ssyncset.done $0x0  }
0x12b: {  	s3 =	simm.s32 $0x14118;
	[sflag:s28] =	ssyncadd.s32 $0xFFFFEC00  }
0x12c: {  	[tilespmem:s21], [sflag:$0x3] =	stream.indirect.gather [hbm4b:s1+s18], $0x80, s3, s18, $0xb8;
	[tilespmem:$0x1FB00] =	vst v63  }
0x12d: {  	_ =	swait.ge [sflag:s29], $0x1400  }
0x12e: {  	[sflag:s29] =	ssyncset.done $0x0  }
0x12f: {  	s17 =	simm.s32 $0x16820;
	[sflag:s29] =	ssyncadd.s32 $0xFFFFEC00  }
0x130: {  	[spmem:s2] =	stream.indirect.scatter.add.f32 [tilespmem:s4], [sflag:$0xA], $0x80, s17, s18, $0xb8;
	[tilespmem:$0x1FB00] =	vst v63  }
0x131: {  	_ =	swait.ge [sflag:s30], $0x1400  }
0x132: {  	[sflag:s30] =	ssyncset.done $0x0  }
0x133: {  	s3 =	simm.s32 $0x14140;
	[sflag:s30] =	ssyncadd.s32 $0xFFFFEC00  }
0x134: {  	[tilespmem:s22], [sflag:$0x4] =	stream.indirect.gather [hbm4b:s1+s18], $0x80, s3, s18, $0xb8;
	[tilespmem:$0x1FB00] =	vst v63  }
0x135: {  	_ =	swait.ge [sflag:s25], $0x1400  }
0x136: {  	[sflag:s25] =	ssyncset.done $0x0  }
0x137: {  	s17 =	simm.s32 $0x16848;
	[sflag:s25] =	ssyncadd.s32 $0xFFFFEC00  }
0x138: {  	[spmem:s2] =	stream.indirect.scatter.add.f32 [tilespmem:s19], [sflag:$0x6], $0x80, s17, s18, $0xb8;
	[tilespmem:$0x1FB00] =	vst v63  }
0x139: {  	_ =	swait.ge [sflag:s31], $0x1400  }
0x13a: {  	[sflag:s31] =	ssyncset.done $0x0  }
0x13b: {  	s3 =	simm.s32 $0x14168;
	[sflag:s31] =	ssyncadd.s32 $0xFFFFEC00  }
0x13c: {  	[tilespmem:s4], [sflag:$0x5] =	stream.indirect.gather [hbm4b:s1+s18], $0x80, s3, s18, $0xb8;
	[tilespmem:$0x1FB00] =	vst v63  }
0x13d: {  	_ =	swait.ge [sflag:s5], $0x1400  }
0x13e: {  	[sflag:s5] =	ssyncset.done $0x0  }
0x13f: {  	s17 =	simm.s32 $0x16870;
	[sflag:s5] =	ssyncadd.s32 $0xFFFFEC00  }
0x140: {  	[spmem:s2] =	stream.indirect.scatter.add.f32 [tilespmem:s20], [sflag:$0x7], $0x80, s17, s18, $0xb8;
	[tilespmem:$0x1FB00] =	vst v63  }
0x141: {  	_ =	swait.ge [sflag:s6], $0x1400  }
0x142: {  	[sflag:s6] =	ssyncset.done $0x0  }
0x143: {  	s3 =	simm.s32 $0x14190;
	[sflag:s6] =	ssyncadd.s32 $0xFFFFEC00  }
0x144: {  	[tilespmem:s19], [sflag:$0x1] =	stream.indirect.gather [hbm4b:s1+s18], $0x80, s3, s18, $0xb8;
	[tilespmem:$0x1FB00] =	vst v63  }
0x145: {  	_ =	swait.ge [sflag:s9], $0x1400  }
0x146: {  	[sflag:s9] =	ssyncset.done $0x0  }
0x147: {  	s17 =	simm.s32 $0x16898;
	[sflag:s9] =	ssyncadd.s32 $0xFFFFEC00  }
0x148: {  	[spmem:s2] =	stream.indirect.scatter.add.f32 [tilespmem:s21], [sflag:$0x8], $0x80, s17, s18, $0xb8;
	[tilespmem:$0x1FB00] =	vst v63  }
0x149: {  	_ =	swait.ge [sflag:s10], $0x1400  }
0x14a: {  	[sflag:s10] =	ssyncset.done $0x0  }
0x14b: {  	s3 =	simm.s32 $0x141B8;
	[sflag:s10] =	ssyncadd.s32 $0xFFFFEC00  }
0x14c: {  	[tilespmem:s20], [sflag:$0x2] =	stream.indirect.gather [hbm4b:s1+s18], $0x80, s3, s18, $0xb8;
	[tilespmem:$0x1FB00] =	vst v63  }
0x14d: {  	_ =	swait.ge [sflag:s26], $0x1400  }
0x14e: {  	[sflag:s26] =	ssyncset.done $0x0  }
0x14f: {  	s17 =	simm.s32 $0x168C0;
	[sflag:s26] =	ssyncadd.s32 $0xFFFFEC00  }
0x150: {  	[spmem:s2] =	stream.indirect.scatter.add.f32 [tilespmem:s22], [sflag:$0x9], $0x80, s17, s18, $0xb8;
	[tilespmem:$0x1FB00] =	vst v63  }
0x151: {  	_ =	swait.ge [sflag:s28], $0x1400  }
0x152: {  	[sflag:s28] =	ssyncset.done $0x0  }
0x153: {  	s3 =	simm.s32 $0x141E0;
	[sflag:s28] =	ssyncadd.s32 $0xFFFFEC00  }
0x154: {  	[tilespmem:s21], [sflag:$0x3] =	stream.indirect.gather [hbm4b:s1+s18], $0x80, s3, s18, $0xb8;
	[tilespmem:$0x1FB00] =	vst v63  }
0x155: {  	_ =	swait.ge [sflag:s29], $0x1400  }
0x156: {  	[sflag:s29] =	ssyncset.done $0x0  }
0x157: {  	s17 =	simm.s32 $0x168E8;
	[sflag:s29] =	ssyncadd.s32 $0xFFFFEC00  }
0x158: {  	[spmem:s2] =	stream.indirect.scatter.add.f32 [tilespmem:s4], [sflag:$0xA], $0x80, s17, s18, $0xb8;
	[tilespmem:$0x1FB00] =	vst v63  }
0x159: {  	_ =	swait.ge [sflag:s30], $0x1400  }
0x15a: {  	[sflag:s30] =	ssyncset.done $0x0  }
0x15b: {  	s0 =	simm.s32 $0x14208;
	s3 =	simm.s32 $0x320;
	[sflag:s30] =	ssyncadd.s32 $0xFFFFEC00  }
.LBB2_6:
0x15c: {  	[tilespmem:s22], [sflag:$0x4] =	stream.indirect.gather [hbm4b:s1+s18], $0x80, s0, s18, $0xb8;
	[tilespmem:$0x1FB00] =	vst v63  }
0x15d: {  	s0 =	smov.u32 s3  }
0x15e: {  	p4 =	sne.s32 s3, $0x92E0;
	s3 =	sadd.s32 $0x320, s3;
	_ =	swait.ge [sflag:s25], $0x1400  }
0x15f: {  	s0 =	sshra.s32 s0, $0x2;
	[sflag:s25] =	ssyncset.done $0x0  }
0x160: {  	s17 =	sadd.s32 $0x16848, s0;
	[sflag:s25] =	ssyncadd.s32 $0xFFFFEC00  }
0x161: {  	[spmem:s2] =	stream.indirect.scatter.add.f32 [tilespmem:s19], [sflag:$0x6], $0x80, s17, s18, $0xb8;
	[tilespmem:$0x1FB00] =	vst v63  }
0x162: {  	_ =	swait.ge [sflag:s31], $0x1400  }
0x163: {  	[sflag:s31] =	ssyncset.done $0x0  }
0x164: {  	s17 =	sadd.s32 $0x14168, s0;
	[sflag:s31] =	ssyncadd.s32 $0xFFFFEC00  }
0x165: {  	[tilespmem:s4], [sflag:$0x5] =	stream.indirect.gather [hbm4b:s1+s18], $0x80, s17, s18, $0xb8;
	[tilespmem:$0x1FB00] =	vst v63  }
0x166: {  	_ =	swait.ge [sflag:s5], $0x1400  }
0x167: {  	[sflag:s5] =	ssyncset.done $0x0  }
0x168: {  	s17 =	sadd.s32 $0x16870, s0;
	[sflag:s5] =	ssyncadd.s32 $0xFFFFEC00  }
0x169: {  	[spmem:s2] =	stream.indirect.scatter.add.f32 [tilespmem:s20], [sflag:$0x7], $0x80, s17, s18, $0xb8;
	[tilespmem:$0x1FB00] =	vst v63  }
0x16a: {  	_ =	swait.ge [sflag:s6], $0x1400  }
0x16b: {  	[sflag:s6] =	ssyncset.done $0x0  }
0x16c: {  	s17 =	sadd.s32 $0x14190, s0;
	[sflag:s6] =	ssyncadd.s32 $0xFFFFEC00  }
0x16d: {  	[tilespmem:s19], [sflag:$0x1] =	stream.indirect.gather [hbm4b:s1+s18], $0x80, s17, s18, $0xb8;
	[tilespmem:$0x1FB00] =	vst v63  }
0x16e: {  	_ =	swait.ge [sflag:s9], $0x1400  }
0x16f: {  	[sflag:s9] =	ssyncset.done $0x0  }
0x170: {  	s17 =	sadd.s32 $0x16898, s0;
	[sflag:s9] =	ssyncadd.s32 $0xFFFFEC00  }
0x171: {  	[spmem:s2] =	stream.indirect.scatter.add.f32 [tilespmem:s21], [sflag:$0x8], $0x80, s17, s18, $0xb8;
	[tilespmem:$0x1FB00] =	vst v63  }
0x172: {  	_ =	swait.ge [sflag:s10], $0x1400  }
0x173: {  	[sflag:s10] =	ssyncset.done $0x0  }
0x174: {  	s17 =	sadd.s32 $0x141B8, s0;
	[sflag:s10] =	ssyncadd.s32 $0xFFFFEC00  }
0x175: {  	[tilespmem:s20], [sflag:$0x2] =	stream.indirect.gather [hbm4b:s1+s18], $0x80, s17, s18, $0xb8;
	[tilespmem:$0x1FB00] =	vst v63  }
0x176: {  	_ =	swait.ge [sflag:s26], $0x1400  }
0x177: {  	[sflag:s26] =	ssyncset.done $0x0  }
0x178: {  	s17 =	sadd.s32 $0x168C0, s0;
	[sflag:s26] =	ssyncadd.s32 $0xFFFFEC00  }
0x179: {  	[spmem:s2] =	stream.indirect.scatter.add.f32 [tilespmem:s22], [sflag:$0x9], $0x80, s17, s18, $0xb8;
	[tilespmem:$0x1FB00] =	vst v63  }
0x17a: {  	_ =	swait.ge [sflag:s28], $0x1400  }
0x17b: {  	[sflag:s28] =	ssyncset.done $0x0  }
0x17c: {  	s17 =	sadd.s32 $0x141E0, s0;
	[sflag:s28] =	ssyncadd.s32 $0xFFFFEC00  }
0x17d: {  	[tilespmem:s21], [sflag:$0x3] =	stream.indirect.gather [hbm4b:s1+s18], $0x80, s17, s18, $0xb8;
	[tilespmem:$0x1FB00] =	vst v63  }
0x17e: {  	_ =	swait.ge [sflag:s29], $0x1400  }
0x17f: {  	[sflag:s29] =	ssyncset.done $0x0  }
.Ltmp4:
0x180: {  	s17 =	sadd.s32 $0x168E8, s0;
	[sflag:s29] =	ssyncadd.s32 $0xFFFFEC00;
	(pc) =	sbr.rel @p4 .LBB2_6-.Ltmp4, $4  }
0x181: {  	[spmem:s2] =	stream.indirect.scatter.add.f32 [tilespmem:s4], [sflag:$0xA], $0x80, s17, s18, $0xb8;
	[tilespmem:$0x1FB00] =	vst v63  }
0x182: {  	_ =	swait.ge [sflag:s30], $0x1400  }
0x183: {  	[sflag:s30] =	ssyncset.done $0x0  }
0x184: {  	s0 =	sadd.s32 $0x14208, s0;
	[sflag:s30] =	ssyncadd.s32 $0xFFFFEC00  }
0x185: {  	[tilespmem:s22], [sflag:$0x4] =	stream.indirect.gather [hbm4b:s1+s18], $0x80, s0, s18, $0xb8;
	[tilespmem:$0x1FB00] =	vst v63  }
0x186: {  	_ =	swait.ge [sflag:s25], $0x1400  }
0x187: {  	[sflag:s25] =	ssyncset.done $0x0  }
0x188: {  	s3 =	simm.s32 $0x18DC8;
	[sflag:s25] =	ssyncadd.s32 $0xFFFFEC00  }
0x189: {  	[spmem:s2] =	stream.indirect.scatter.add.f32 [tilespmem:s19], [sflag:$0x6], $0x80, s3, s18, $0xb8;
	[tilespmem:$0x1FB00] =	vst v63  }
0x18a: {  	_ =	swait.ge [sflag:s31], $0x1400  }
0x18b: {  	[sflag:s31] =	ssyncset.done $0x0  }
0x18c: {  	s17 =	simm.s32 $0x166E8;
	[sflag:s31] =	ssyncadd.s32 $0xFFFFEC00  }
0x18d: {  	[tilespmem:s4], [sflag:$0x5] =	stream.indirect.gather [hbm4b:s1+s18], $0x80, s17, s18, $0xb8;
	[tilespmem:$0x1FB00] =	vst v63  }
0x18e: {  	_ =	swait.ge [sflag:s5], $0x1400  }
0x18f: {  	[sflag:s5] =	ssyncset.done $0x0  }
0x190: {  	s3 =	simm.s32 $0x18DF0;
	[sflag:s5] =	ssyncadd.s32 $0xFFFFEC00  }
0x191: {  	[spmem:s2] =	stream.indirect.scatter.add.f32 [tilespmem:s20], [sflag:$0x7], $0x80, s3, s18, $0xb8;
	[tilespmem:$0x1FB00] =	vst v63  }
0x192: {  	_ =	swait.ge [sflag:s6], $0x1400  }
0x193: {  	[sflag:s6] =	ssyncset.done $0x0  }
0x194: {  	[sflag:s6] =	ssyncadd.s32 $0xFFFFEC00  }
0x195: {  	_ =	swait.ge [sflag:s9], $0x1400  }
0x196: {  	[sflag:s9] =	ssyncset.done $0x0  }
0x197: {  	s17 =	simm.s32 $0x18E18;
	[sflag:s9] =	ssyncadd.s32 $0xFFFFEC00  }
0x198: {  	[spmem:s2] =	stream.indirect.scatter.add.f32 [tilespmem:s21], [sflag:$0x8], $0x80, s17, s18, $0xb8;
	[tilespmem:$0x1FB00] =	vst v63  }
0x199: {  	_ =	swait.ge [sflag:s10], $0x1400  }
0x19a: {  	[sflag:s10] =	ssyncset.done $0x0  }
0x19b: {  	[sflag:s10] =	ssyncadd.s32 $0xFFFFEC00  }
0x19c: {  	_ =	swait.ge [sflag:s26], $0x1400  }
0x19d: {  	[sflag:s26] =	ssyncset.done $0x0  }
0x19e: {  	s3 =	simm.s32 $0x18E40;
	[sflag:s26] =	ssyncadd.s32 $0xFFFFEC00  }
0x19f: {  	[spmem:s2] =	stream.indirect.scatter.add.f32 [tilespmem:s22], [sflag:$0x9], $0x80, s3, s18, $0xb8;
	[tilespmem:$0x1FB00] =	vst v63  }
0x1a0: {  	_ =	swait.ge [sflag:s28], $0x1400  }
0x1a1: {  	[sflag:s28] =	ssyncset.done $0x0  }
0x1a2: {  	[sflag:s28] =	ssyncadd.s32 $0xFFFFEC00  }
0x1a3: {  	_ =	swait.ge [sflag:s29], $0x1400  }
0x1a4: {  	[sflag:s29] =	ssyncset.done $0x0  }
0x1a5: {  	s17 =	simm.s32 $0x18E68;
	[sflag:s29] =	ssyncadd.s32 $0xFFFFEC00  }
0x1a6: {  	[spmem:s2] =	stream.indirect.scatter.add.f32 [tilespmem:s4], [sflag:$0xA], $0x80, s17, s18, $0xb8;
	[tilespmem:$0x1FB00] =	vst v63  }
0x1a7: {  	_ =	swait.ge [sflag:s30], $0x1400  }
0x1a8: {  	[sflag:s30] =	ssyncset.done $0x0  }
0x1a9: {  	[sflag:s30] =	ssyncadd.s32 $0xFFFFEC00  }
.Ltmp5:
0x1aa: {  	_ =	swait.ge [sflag:s31], $0x1400;
	(pc) =	sbr.rel @p3 .LBB2_9-.Ltmp5, $3  }
0x1ab: {  	[sflag:s31] =	ssyncset.done $0x0  }
0x1ac: {  	[sflag:s31] =	ssyncadd.s32 $0xFFFFEC00  }
0x1ad: {  	[bflag:$0x0] =	sbarrier.arrive $0xFFFF;
	_ =	sdelay $0x1  }
0x1ae: {  	s0 =	sld [smem:$0x7D8];
	_ =	sdelay $0x2  }
0x1af: {  	p4 =	seq.s32 s0, $0x1  }
0x1b0: {  	s3 =	rddreg [dreg:$0x9];
	s0 =	simm.s32 @!p4 $0x1D8C  }
0x1b1: {  	[hbm:s8], [sflag:s0] =	dma.local @!p4 [spmem:s3], $0x2800  }
0x1b2: {  	s0 =	sld [smem:$0x7D9];
	_ =	sdelay $0x2  }
0x1b3: {  	p4 =	seq.s32 s0, $0x1  }
0x1b4: {  	s3 =	rddreg [dreg:$0xa];
	s0 =	simm.s32 @!p4 $0x1DCC  }
0x1b5: {  	[hbm:s8], [sflag:s0] =	dma.local @!p4 [spmem:s3], $0x2800  }
0x1b6: {  	s0 =	sld [smem:$0x7DA];
	_ =	sdelay $0x2  }
0x1b7: {  	p4 =	seq.s32 s0, $0x1  }
0x1b8: {  	s3 =	rddreg [dreg:$0xb];
	s0 =	simm.s32 @!p4 $0x1D0C  }
0x1b9: {  	[hbm:s8], [sflag:s0] =	dma.local @!p4 [spmem:s3], $0x2800  }
0x1ba: {  	s0 =	sld [smem:$0x7DB];
	_ =	sdelay $0x2  }
0x1bb: {  	p4 =	seq.s32 s0, $0x1  }
0x1bc: {  	s3 =	rddreg [dreg:$0xc];
	s0 =	simm.s32 @!p4 $0x1D4C  }
0x1bd: {  	[hbm:s8], [sflag:s0] =	dma.local @!p4 [spmem:s3], $0x2800  }
0x1be: {  	s0 =	sld [smem:$0x7DC];
	_ =	sdelay $0x2  }
0x1bf: {  	p4 =	seq.s32 s0, $0x1  }
0x1c0: {  	s3 =	rddreg [dreg:$0xd];
	s0 =	simm.s32 @!p4 $0x1C8C  }
0x1c1: {  	[hbm:s8], [sflag:s0] =	dma.local @!p4 [spmem:s3], $0x2800  }
0x1c2: {  	s0 =	sld [smem:$0x7DD];
	_ =	sdelay $0x2  }
0x1c3: {  	p4 =	seq.s32 s0, $0x1  }
0x1c4: {  	s3 =	rddreg [dreg:$0xe];
	s0 =	simm.s32 @!p4 $0x1CCC  }
0x1c5: {  	[hbm:s8], [sflag:s0] =	dma.local @!p4 [spmem:s3], $0x2800  }
0x1c6: {  	s0 =	sshrl.u32 @!p6 s2, $0x3;
	s3 =	simm.s32 @!p6 $0x1C0C  }
0x1c7: {  	[hbm:s8], [sflag:s3] =	dma.local @!p6 [spmem:s0], $0x2800  }
0x1c8: {  	s0 =	sld [smem:$0x7DE]  }
.Ltmp6:
0x1c9: {  	_ = 	snop;
	(pc) =	sbr.rel .LBB2_10-.Ltmp6, $4  }
0x1ca: {  	_ = 	snop  }
0x1cb: {  	p4 =	seq.s32 s0, $0x1  }
0x1cc: {  	s3 =	rddreg [dreg:$0xf];
	s0 =	simm.s32 @!p4 $0x1C4C  }
0x1cd: {  	[hbm:s8], [sflag:s0] =	dma.local @!p4 [spmem:s3], $0x2800  }
.LBB2_11:
0x1ce: {  	_ =	sfence.sel $0x180000  }
0x1cf: {  	[bflag:$0x0] =	sbarrier.arrive $0xFFFF  }
0x1d0: {  	_ =	strace $0x90000047  }
0x1d1: {  	s0 =	stileid.u32;
	[bflag:$0x2] =	sbarrier.arrive $0xFFFF  }
0x1d2: {  	p0 =	sne.s32 s0, $0x0;
	s0 =	rddreg [dreg:$0x4]  }
0x1d3: {  	s0 =	sadd.s32 @!p0 $0x100000, s0  }
0x1d4: {  	[sflag:s0] =	ssyncadd.tile.s32 @!p0 $0x1;
	_ =	shalt  }
.Lfunc_end2:
_tile_overlayer_lowered:
.L_overlay_start_2:
0x1d5: {  	(tag) =	ssettag $0x2  }
0x1d6: {  	s0 =	rddreg [dreg:$0x0];
	s2 =	stileid.u32  }
0x1d7: {  	s1 =	rddreg [dreg:$0x1];
	p0 =	sne.s32 s2, $0x0  }
0x1d8: {  	s3 =	rddreg [dreg:$0x2];
	[bflag:$0x3] =	sbarrier.arrive $0xFFFF;
	s2 =	simm.s32 @!p0 $0x1C0C  }
0x1d9: {  	[timem:s3], [sflag:s2] =	dma.local @!p0 [hbm:s0], s1  }
0x1da: {  	s0 =	simm.s32 @!p0 $0xC  }
0x1db: {  	_ =	swait.ge @!p0 [sflag:s0], s1  }
0x1dc: {  	s1 =	ssub.s32 @!p0 $0x0, s1;
	[sflag:s0] =	ssyncset.done @!p0 $0x0  }
0x1dd: {  	[sflag:s0] =	ssyncadd.s32 @!p0 s1  }
0x1de: {  	[bflag:$0x3] =	sbarrier.arrive $0xFFFF  }
0x1df: {  	_ =	shalt  }

</sc_bundles>
